<compile_context>
chip_gen: v7x
topology: tpu7x:2x2x1
jax: 0.10.2.dev20260603
libtpu: 0.0.44.dev20260713+nightly
codegen_flags: <defaults>
</compile_context>

<pallas_src>
import functools

import jax
import jax.numpy as jnp
from jax import lax
from jax.experimental import pallas as pl
from jax.experimental.pallas import tpu as pltpu
from jax.experimental.pallas import tpu_sc as plsc

N = 10000
E = 160000
D = 256
OUT = 256
HALF = OUT // 2
NS = 16
EPT = E // NS
CH = 80
ITERS = EPT // CH
PAIRS = (ITERS - 1) // 2
RPT = 624
TAIL = N - NS * RPT


def _matmul(x, W):
    BLK = 1000

    def mm_body(x_ref, w_ref, y0_ref, y1_ref):
        y = jnp.dot(x_ref[...], w_ref[...], preferred_element_type=jnp.float32)
        y0_ref[...] = y[:, :HALF]
        y1_ref[...] = y[:, HALF:]

    return pl.pallas_call(
        mm_body,
        grid=(N // BLK,),
        in_specs=[
            pl.BlockSpec((BLK, D), lambda i: (i, 0)),
            pl.BlockSpec((D, OUT), lambda i: (0, 0)),
        ],
        out_specs=[
            pl.BlockSpec((BLK, HALF), lambda i: (i, 0)),
            pl.BlockSpec((BLK, HALF), lambda i: (i, 0)),
        ],
        out_shape=[
            jax.ShapeDtypeStruct((N, HALF), jnp.float32),
            jax.ShapeDtypeStruct((N, HALF), jnp.float32),
        ],
    )(x, W)


def _make_agg():
    mesh = plsc.VectorSubcoreMesh(core_axis_name="c", subcore_axis_name="s")

    @functools.partial(
        pl.kernel,
        mesh=mesh,
        out_type=[
            jax.ShapeDtypeStruct((N, HALF), jnp.float32),
            jax.ShapeDtypeStruct((N, HALF), jnp.float32),
        ],
        scratch_types=[
            pltpu.VMEM((ITERS, CH), jnp.int32),
            pltpu.VMEM((CH,), jnp.int32),
            pltpu.VMEM((CH,), jnp.int32),
            pltpu.VMEM((CH, HALF), jnp.float32),
            pltpu.VMEM((CH, HALF), jnp.float32),
            pltpu.VMEM_SHARED((N, HALF), jnp.float32),
            pltpu.SemaphoreType.DMA,
            pltpu.SemaphoreType.DMA,
            pltpu.SemaphoreType.DMA,
            pltpu.SemaphoreType.DMA,
        ],
    )
    def agg(y0_hbm, y1_hbm, src_hbm, dst_hbm, binit0_hbm, binit1_hbm,
            out0_hbm, out1_hbm, srcs, dv_a, dv_b, rows_a, rows_b, acc,
            sem_a, sem_b, sem_da, sem_db):
        cid = lax.axis_index("c")
        sid = lax.axis_index("s")

        def run(y_hbm, binit_hbm, out_hbm):
            pltpu.sync_copy(src_hbm.at[sid], srcs)
            rbase = pl.multiple_of(sid * RPT, 8)
            pltpu.sync_copy(binit_hbm.at[pl.ds(0, RPT)],
                            acc.at[pl.ds(rbase, RPT)])

            @pl.when(sid == NS - 1)
            def _():
                pltpu.sync_copy(binit_hbm.at[pl.ds(0, TAIL)],
                                acc.at[pl.ds(NS * RPT, TAIL)])

            plsc.subcore_barrier()

            def gather(j, buf, sem):
                pltpu.async_copy(y_hbm.at[srcs.at[j]], buf, sem)

            def gwait(j, buf, sem):
                pltpu.make_async_copy(y_hbm.at[srcs.at[j]], buf, sem).wait()

            def dload(j, dbuf, sem):
                base = sid * EPT + j * CH
                pltpu.async_copy(dst_hbm.at[pl.ds(base, CH)], dbuf, sem)

            def dwait(j, dbuf, sem):
                base = sid * EPT + j * CH
                pltpu.make_async_copy(dst_hbm.at[pl.ds(base, CH)], dbuf,
                                      sem).wait()

            def scat(dbuf, buf):
                pltpu.sync_copy(buf, acc.at[dbuf], add=True)

            dload(0, dv_a, sem_da)
            gather(0, rows_a, sem_a)

            def body(g, carry):
                j0 = 2 * g
                dload(j0 + 1, dv_b, sem_db)
                gather(j0 + 1, rows_b, sem_b)
                gwait(j0, rows_a, sem_a)
                dwait(j0, dv_a, sem_da)
                scat(dv_a, rows_a)
                dload(j0 + 2, dv_a, sem_da)
                gather(j0 + 2, rows_a, sem_a)
                gwait(j0 + 1, rows_b, sem_b)
                dwait(j0 + 1, dv_b, sem_db)
                scat(dv_b, rows_b)
                return carry

            lax.fori_loop(0, PAIRS, body, 0)
            gwait(ITERS - 1, rows_a, sem_a)
            dwait(ITERS - 1, dv_a, sem_da)
            scat(dv_a, rows_a)

            plsc.subcore_barrier()
            pltpu.sync_copy(acc.at[pl.ds(rbase, RPT)],
                            out_hbm.at[pl.ds(rbase, RPT)])

            @pl.when(sid == NS - 1)
            def _():
                pltpu.sync_copy(acc.at[pl.ds(NS * RPT, TAIL)],
                                out_hbm.at[pl.ds(NS * RPT, TAIL)])

        @pl.when(cid == 0)
        def _():
            run(y0_hbm, binit0_hbm, out0_hbm)

        @pl.when(cid == 1)
        def _():
            run(y1_hbm, binit1_hbm, out1_hbm)

    return agg


_agg = _make_agg()


def kernel(x, edge_index, W, b):
    y0, y1 = _matmul(x, W)
    src3d = edge_index[0].reshape(NS, ITERS, CH)
    dst1d = edge_index[1]
    binit0 = jnp.broadcast_to(b[:HALF], (RPT, HALF))
    binit1 = jnp.broadcast_to(b[HALF:], (RPT, HALF))
    out0, out1 = _agg(y0, y1, src3d, dst1d, binit0, binit1)
    return jnp.concatenate([out0, out1], axis=1)

# --- scband reference (transcript-rebuilt; emitter-appended) ---
"""Pipeline reference for scband-lazy-unite-35399120453951 (READ-ONLY COPY).

The authoritative reference and input builder live on the scoring server;
editing this copy changes nothing except your own understanding.
"""

import jax, jax.numpy as jnp
import numpy as np

N = 10000
E = 160000
D = 256
OUT = 256


def setup_inputs(seed: int = 0) -> dict:
    key = jax.random.key(seed)
    k1, k2, k3 = jax.random.split(key, 3)
    x = jax.random.normal(k1, (N, D), dtype=jnp.float32)
    edge_index = jax.random.randint(k2, (2, E), 0, N, dtype=jnp.int32)
    # LazyLinear materializes w: (in_channels, out_channels) with xavier_uniform, b zeros
    limit = float(np.sqrt(6.0 / (D + OUT)))
    W = jax.random.uniform(k3, (D, OUT), dtype=jnp.float32, minval=-limit, maxval=limit)
    b = jnp.zeros((OUT,), dtype=jnp.float32)
    return {"x": x, "edge_index": edge_index, "W": W, "b": b}


def reference(x, edge_index, W, b):
    # unite step: for each destination node, sum features gathered from its
    # neighborhood (source nodes of incoming edges) -- message passing with
    # sum reduction (reduction_type='sum').
    src = edge_index[0]
    dst = edge_index[1]
    msgs = jnp.take(x, src, axis=0)              # gather  [E, D]
    agg = jax.ops.segment_sum(msgs, dst, num_segments=N)  # scatter-add [N, D]
    # LazyLinear: linear(F, w, b)
    out = agg @ W + b
    return out

if __name__ == "__main__":
    import jax
    _d = setup_inputs()
    print(jax.jit(kernel)(*tuple(_d.values())))

</pallas_src>

<mosaic_0001>
#map = affine_map<(d0, d1) -> (0, 0)>
#map1 = affine_map<(d0, d1) -> (0, 0, 0)>
#map2 = affine_map<(d0, d1) -> (0)>
module attributes {stable_mosaic.version = 14 : i64} {
  func.func @agg(%arg0: i32, %arg1: i32, %arg2: memref<10000x128xf32, #tpu.memory_space<hbm>>, %arg3: memref<10000x128xf32, #tpu.memory_space<hbm>>, %arg4: memref<16x125x80xi32, #tpu.memory_space<hbm>>, %arg5: memref<160000xi32, #tpu.memory_space<hbm>>, %arg6: memref<624x128xf32, #tpu.memory_space<hbm>>, %arg7: memref<624x128xf32, #tpu.memory_space<hbm>>, %arg8: memref<10000x128xf32, #tpu.memory_space<hbm>>, %arg9: memref<10000x128xf32, #tpu.memory_space<hbm>>, %arg10: memref<125x80xi32, #tpu.memory_space<vmem>>, %arg11: memref<80xi32, #tpu.memory_space<vmem>>, %arg12: memref<80xi32, #tpu.memory_space<vmem>>, %arg13: memref<80x128xf32, #tpu.memory_space<vmem>>, %arg14: memref<80x128xf32, #tpu.memory_space<vmem>>, %arg15: memref<10000x128xf32, #tpu.memory_space<vmem_shared>>, %arg16: memref<!tpu.dma_semaphore, #tpu.memory_space<semaphore_mem>>, %arg17: memref<!tpu.dma_semaphore, #tpu.memory_space<semaphore_mem>>, %arg18: memref<!tpu.dma_semaphore, #tpu.memory_space<semaphore_mem>>, %arg19: memref<!tpu.dma_semaphore, #tpu.memory_space<semaphore_mem>>) attributes {dimension_semantics = [#tpu.dimension_semantics<core_parallel>, #tpu.dimension_semantics<subcore_parallel>], iteration_bounds = array<i64: 2, 16>, scalar_prefetch = 0 : i64, scratch_operands = 10 : i64, tpu.core_type = #tpu.core_type<sc_vector_subcore>, window_params = [{transform_indices = #map}, {transform_indices = #map}, {transform_indices = #map1}, {transform_indices = #map2}, {transform_indices = #map}, {transform_indices = #map}, {transform_indices = #map}, {transform_indices = #map}]} {
    %eq3A = arith.constant 0 : i32
    %eq3A_0 = arith.cmpi eq, %arg0, %eq3A : i32
    %convert_element_type3A = arith.extui %eq3A_0 : i1 to i32
    %cond3A = arith.constant 0 : i32
    %cond3A_1 = arith.cmpi ne, %convert_element_type3A, %cond3A : i32
    scf.if %cond3A_1 {
      "tpu.region"() ({
        %run_scoped3A = tpu.sem_alloc : memref<!tpu.dma_semaphore, #tpu.memory_space<semaphore_mem>>
        %dma_start3A_47 = arith.constant 0 : i32
        %dma_start3A_48 = arith.constant 0 : i32
        %dma_start3A_49 = tpu.memref_slice %arg4[%arg1, %dma_start3A_47, %dma_start3A_48] : memref<16x125x80xi32, #tpu.memory_space<hbm>> -> memref<1x125x80xi32, #tpu.memory_space<hbm>>
        %dma_start3A_50 = tpu.memref_squeeze %dma_start3A_49 : memref<1x125x80xi32, #tpu.memory_space<hbm>> -> memref<125x80xi32, #tpu.memory_space<hbm>>
        %dma_start3A_51 = arith.constant 0 : i32
        %dma_start3A_52 = arith.constant 0 : i32
        %dma_start3A_53 = tpu.memref_slice %arg4[%arg1, %dma_start3A_51, %dma_start3A_52] : memref<16x125x80xi32, #tpu.memory_space<hbm>> -> memref<1x125x80xi32, #tpu.memory_space<hbm>>
        %dma_start3A_54 = tpu.memref_squeeze %dma_start3A_53 : memref<1x125x80xi32, #tpu.memory_space<hbm>> -> memref<125x80xi32, #tpu.memory_space<hbm>>
        tpu.enqueue_dma source(%dma_start3A_54 : memref<125x80xi32, #tpu.memory_space<hbm>>) target(%arg10 : memref<125x80xi32, #tpu.memory_space<vmem>>) target_semaphore(%run_scoped3A : memref<!tpu.dma_semaphore, #tpu.memory_space<semaphore_mem>>)
        %dma_wait3A_55 = arith.constant 0 : i32
        %dma_wait3A_56 = arith.constant 0 : i32
        %dma_wait3A_57 = tpu.memref_slice %arg4[%arg1, %dma_wait3A_55, %dma_wait3A_56] : memref<16x125x80xi32, #tpu.memory_space<hbm>> -> memref<1x125x80xi32, #tpu.memory_space<hbm>>
        %dma_wait3A_58 = tpu.memref_squeeze %dma_wait3A_57 : memref<1x125x80xi32, #tpu.memory_space<hbm>> -> memref<125x80xi32, #tpu.memory_space<hbm>>
        %dma_wait3A_59 = arith.constant 0 : i32
        %dma_wait3A_60 = arith.constant 0 : i32
        %dma_wait3A_61 = tpu.memref_slice %arg4[%arg1, %dma_wait3A_59, %dma_wait3A_60] : memref<16x125x80xi32, #tpu.memory_space<hbm>> -> memref<1x125x80xi32, #tpu.memory_space<hbm>>
        %dma_wait3A_62 = tpu.memref_squeeze %dma_wait3A_61 : memref<1x125x80xi32, #tpu.memory_space<hbm>> -> memref<125x80xi32, #tpu.memory_space<hbm>>
        tpu.wait_dma2 semaphore(%run_scoped3A : memref<!tpu.dma_semaphore, #tpu.memory_space<semaphore_mem>>) src(%dma_wait3A_62 : memref<125x80xi32, #tpu.memory_space<hbm>>) dst(%arg10 : memref<125x80xi32, #tpu.memory_space<vmem>>)
        tpu.yield
      }) : () -> ()
      %mul3A = arith.constant 624 : i32
      %mul3A_7 = arith.muli %arg1, %mul3A : i32
      %multiple_of3A = tpu.assume_multiple %mul3A_7, 8 : i32
      "tpu.region"() ({
        %run_scoped3A = tpu.sem_alloc : memref<!tpu.dma_semaphore, #tpu.memory_space<semaphore_mem>>
        %dma_start3A_47 = arith.constant 0 : i32
        %dma_start3A_48 = tpu.memref_slice %arg15[%multiple_of3A, %dma_start3A_47] : memref<10000x128xf32, #tpu.memory_space<vmem_shared>> -> memref<624x128xf32, #tpu.memory_space<vmem_shared>>
        %dma_start3A_49 = arith.constant 0 : i32
        %dma_start3A_50 = arith.constant 0 : i32
        %dma_start3A_51 = tpu.memref_slice %arg6[%dma_start3A_49, %dma_start3A_50] : memref<624x128xf32, #tpu.memory_space<hbm>> -> memref<624x128xf32, #tpu.memory_space<hbm>>
        tpu.enqueue_dma source(%dma_start3A_51 : memref<624x128xf32, #tpu.memory_space<hbm>>) target(%dma_start3A_48 : memref<624x128xf32, #tpu.memory_space<vmem_shared>>) target_semaphore(%run_scoped3A : memref<!tpu.dma_semaphore, #tpu.memory_space<semaphore_mem>>)
        %dma_wait3A_52 = arith.constant 0 : i32
        %dma_wait3A_53 = tpu.memref_slice %arg15[%multiple_of3A, %dma_wait3A_52] : memref<10000x128xf32, #tpu.memory_space<vmem_shared>> -> memref<624x128xf32, #tpu.memory_space<vmem_shared>>
        %dma_wait3A_54 = arith.constant 0 : i32
        %dma_wait3A_55 = arith.constant 0 : i32
        %dma_wait3A_56 = tpu.memref_slice %arg6[%dma_wait3A_54, %dma_wait3A_55] : memref<624x128xf32, #tpu.memory_space<hbm>> -> memref<624x128xf32, #tpu.memory_space<hbm>>
        tpu.wait_dma2 semaphore(%run_scoped3A : memref<!tpu.dma_semaphore, #tpu.memory_space<semaphore_mem>>) src(%dma_wait3A_56 : memref<624x128xf32, #tpu.memory_space<hbm>>) dst(%dma_wait3A_53 : memref<624x128xf32, #tpu.memory_space<vmem_shared>>)
        tpu.yield
      }) : () -> ()
      %eq3A_8 = arith.constant 15 : i32
      %eq3A_9 = arith.cmpi eq, %arg1, %eq3A_8 : i32
      %convert_element_type3A_10 = arith.extui %eq3A_9 : i1 to i32
      %cond3A_11 = arith.constant 0 : i32
      %cond3A_12 = arith.cmpi ne, %convert_element_type3A_10, %cond3A_11 : i32
      scf.if %cond3A_12 {
        "tpu.region"() ({
          %run_scoped3A = tpu.sem_alloc : memref<!tpu.dma_semaphore, #tpu.memory_space<semaphore_mem>>
          %dma_start3A_47 = arith.constant 9984 : i32
          %dma_start3A_48 = arith.constant 0 : i32
          %dma_start3A_49 = tpu.memref_slice %arg15[%dma_start3A_47, %dma_start3A_48] : memref<10000x128xf32, #tpu.memory_space<vmem_shared>> -> memref<16x128xf32, #tpu.memory_space<vmem_shared>>
          %dma_start3A_50 = arith.constant 0 : i32
          %dma_start3A_51 = arith.constant 0 : i32
          %dma_start3A_52 = tpu.memref_slice %arg6[%dma_start3A_50, %dma_start3A_51] : memref<624x128xf32, #tpu.memory_space<hbm>> -> memref<16x128xf32, #tpu.memory_space<hbm>>
          tpu.enqueue_dma source(%dma_start3A_52 : memref<16x128xf32, #tpu.memory_space<hbm>>) target(%dma_start3A_49 : memref<16x128xf32, #tpu.memory_space<vmem_shared>>) target_semaphore(%run_scoped3A : memref<!tpu.dma_semaphore, #tpu.memory_space<semaphore_mem>>)
          %dma_wait3A_53 = arith.constant 9984 : i32
          %dma_wait3A_54 = arith.constant 0 : i32
          %dma_wait3A_55 = tpu.memref_slice %arg15[%dma_wait3A_53, %dma_wait3A_54] : memref<10000x128xf32, #tpu.memory_space<vmem_shared>> -> memref<16x128xf32, #tpu.memory_space<vmem_shared>>
          %dma_wait3A_56 = arith.constant 0 : i32
          %dma_wait3A_57 = arith.constant 0 : i32
          %dma_wait3A_58 = tpu.memref_slice %arg6[%dma_wait3A_56, %dma_wait3A_57] : memref<624x128xf32, #tpu.memory_space<hbm>> -> memref<16x128xf32, #tpu.memory_space<hbm>>
          tpu.wait_dma2 semaphore(%run_scoped3A : memref<!tpu.dma_semaphore, #tpu.memory_space<semaphore_mem>>) src(%dma_wait3A_58 : memref<16x128xf32, #tpu.memory_space<hbm>>) dst(%dma_wait3A_55 : memref<16x128xf32, #tpu.memory_space<vmem_shared>>)
          tpu.yield
        }) : () -> ()
      } else {
      }
      %barrier3A = arith.constant 0 : index
      tpu.barrier barrier_id(%barrier3A)
      %mul3A_13 = arith.constant 10000 : i32
      %mul3A_14 = arith.muli %arg1, %mul3A_13 : i32
      %add3A = arith.constant 0 : i32
      %add3A_15 = arith.addi %mul3A_14, %add3A : i32
      %dma_start3A = tpu.memref_slice %arg5[%add3A_15] : memref<160000xi32, #tpu.memory_space<hbm>> -> memref<80xi32, #tpu.memory_space<hbm>>
      %dma_start3A_16 = tpu.memref_slice %arg5[%add3A_15] : memref<160000xi32, #tpu.memory_space<hbm>> -> memref<80xi32, #tpu.memory_space<hbm>>
      tpu.enqueue_dma source(%dma_start3A_16 : memref<80xi32, #tpu.memory_space<hbm>>) target(%arg11 : memref<80xi32, #tpu.memory_space<vmem>>) target_semaphore(%arg18 : memref<!tpu.dma_semaphore, #tpu.memory_space<semaphore_mem>>)
      %dma_start3A_17 = arith.constant 0 : i32
      %dma_start3A_18 = arith.constant 0 : i32
      %dma_start3A_19 = tpu.memref_slice %arg10[%dma_start3A_17, %dma_start3A_18] : memref<125x80xi32, #tpu.memory_space<vmem>> -> memref<1x80xi32, #tpu.memory_space<vmem>>
      %dma_start3A_20 = tpu.memref_squeeze %dma_start3A_19 : memref<1x80xi32, #tpu.memory_space<vmem>> -> memref<80xi32, #tpu.memory_space<vmem>>
      %dma_start3A_21 = arith.constant 0 : i32
      %dma_start3A_22 = arith.constant 0 : i32
      %dma_start3A_23 = tpu.memref_slice %arg2[%dma_start3A_21, %dma_start3A_22] : memref<10000x128xf32, #tpu.memory_space<hbm>> -> memref<10000x128xf32, #tpu.memory_space<hbm>>
      tpu.enqueue_indirect_dma source(%dma_start3A_23 : memref<10000x128xf32, #tpu.memory_space<hbm>>) target(%arg13 : memref<80x128xf32, #tpu.memory_space<vmem>>) offsets(%dma_start3A_20 : memref<80xi32, #tpu.memory_space<vmem>>) semaphore(%arg16 : memref<!tpu.dma_semaphore, #tpu.memory_space<semaphore_mem>>)
      %scan3A = arith.constant 0 : i32
      %scan3A_24 = arith.constant 0 : i32
      %scan3A_25 = arith.constant 62 : i32
      %scan3A_26 = arith.addi %scan3A_24, %scan3A_25 : i32
      %scan3A_27 = arith.constant 1 : i32
      scf.for %scan3A_47 = %scan3A_24 to %scan3A_26 step %scan3A_27  : i32 {
        %mul3A_48 = arith.constant 2 : i32
        %mul3A_49 = arith.muli %mul3A_48, %scan3A_47 : i32
        %add3A_50 = arith.constant 1 : i32
        %add3A_51 = arith.addi %mul3A_49, %add3A_50 : i32
        %mul3A_52 = arith.constant 10000 : i32
        %mul3A_53 = arith.muli %arg1, %mul3A_52 : i32
        %mul3A_54 = arith.constant 80 : i32
        %mul3A_55 = arith.muli %add3A_51, %mul3A_54 : i32
        %add3A_56 = arith.addi %mul3A_53, %mul3A_55 : i32
        %dma_start3A_57 = tpu.memref_slice %arg5[%add3A_56] : memref<160000xi32, #tpu.memory_space<hbm>> -> memref<80xi32, #tpu.memory_space<hbm>>
        %dma_start3A_58 = tpu.memref_slice %arg5[%add3A_56] : memref<160000xi32, #tpu.memory_space<hbm>> -> memref<80xi32, #tpu.memory_space<hbm>>
        tpu.enqueue_dma source(%dma_start3A_58 : memref<80xi32, #tpu.memory_space<hbm>>) target(%arg12 : memref<80xi32, #tpu.memory_space<vmem>>) target_semaphore(%arg19 : memref<!tpu.dma_semaphore, #tpu.memory_space<semaphore_mem>>)
        %add3A_59 = arith.constant 1 : i32
        %add3A_60 = arith.addi %mul3A_49, %add3A_59 : i32
        %dma_start3A_61 = arith.constant 0 : i32
        %dma_start3A_62 = tpu.memref_slice %arg10[%add3A_60, %dma_start3A_61] : memref<125x80xi32, #tpu.memory_space<vmem>> -> memref<1x80xi32, #tpu.memory_space<vmem>>
        %dma_start3A_63 = tpu.memref_squeeze %dma_start3A_62 : memref<1x80xi32, #tpu.memory_space<vmem>> -> memref<80xi32, #tpu.memory_space<vmem>>
        %dma_start3A_64 = arith.constant 0 : i32
        %dma_start3A_65 = arith.constant 0 : i32
        %dma_start3A_66 = tpu.memref_slice %arg2[%dma_start3A_64, %dma_start3A_65] : memref<10000x128xf32, #tpu.memory_space<hbm>> -> memref<10000x128xf32, #tpu.memory_space<hbm>>
        tpu.enqueue_indirect_dma source(%dma_start3A_66 : memref<10000x128xf32, #tpu.memory_space<hbm>>) target(%arg14 : memref<80x128xf32, #tpu.memory_space<vmem>>) offsets(%dma_start3A_63 : memref<80xi32, #tpu.memory_space<vmem>>) semaphore(%arg17 : memref<!tpu.dma_semaphore, #tpu.memory_space<semaphore_mem>>)
        %dma_wait3A_67 = arith.constant 0 : i32
        %dma_wait3A_68 = tpu.memref_slice %arg10[%mul3A_49, %dma_wait3A_67] : memref<125x80xi32, #tpu.memory_space<vmem>> -> memref<1x80xi32, #tpu.memory_space<vmem>>
        %dma_wait3A_69 = tpu.memref_squeeze %dma_wait3A_68 : memref<1x80xi32, #tpu.memory_space<vmem>> -> memref<80xi32, #tpu.memory_space<vmem>>
        %dma_wait3A_70 = arith.constant 0 : i32
        %dma_wait3A_71 = arith.constant 0 : i32
        %dma_wait3A_72 = tpu.memref_slice %arg2[%dma_wait3A_70, %dma_wait3A_71] : memref<10000x128xf32, #tpu.memory_space<hbm>> -> memref<10000x128xf32, #tpu.memory_space<hbm>>
        tpu.wait_indirect_dma semaphore(%arg16 : memref<!tpu.dma_semaphore, #tpu.memory_space<semaphore_mem>>) src(%dma_wait3A_72 : memref<10000x128xf32, #tpu.memory_space<hbm>>) dst(%arg13 : memref<80x128xf32, #tpu.memory_space<vmem>>)
        %mul3A_73 = arith.constant 10000 : i32
        %mul3A_74 = arith.muli %arg1, %mul3A_73 : i32
        %mul3A_75 = arith.constant 80 : i32
        %mul3A_76 = arith.muli %mul3A_49, %mul3A_75 : i32
        %add3A_77 = arith.addi %mul3A_74, %mul3A_76 : i32
        %dma_wait3A_78 = tpu.memref_slice %arg5[%add3A_77] : memref<160000xi32, #tpu.memory_space<hbm>> -> memref<80xi32, #tpu.memory_space<hbm>>
        %dma_wait3A_79 = tpu.memref_slice %arg5[%add3A_77] : memref<160000xi32, #tpu.memory_space<hbm>> -> memref<80xi32, #tpu.memory_space<hbm>>
        tpu.wait_dma2 semaphore(%arg18 : memref<!tpu.dma_semaphore, #tpu.memory_space<semaphore_mem>>) src(%dma_wait3A_79 : memref<80xi32, #tpu.memory_space<hbm>>) dst(%arg11 : memref<80xi32, #tpu.memory_space<vmem>>)
        "tpu.region"() ({
          %run_scoped3A = tpu.sem_alloc : memref<!tpu.dma_semaphore, #tpu.memory_space<semaphore_mem>>
          %dma_start3A_114 = arith.constant 0 : i32
          %dma_start3A_115 = arith.constant 0 : i32
          %dma_start3A_116 = tpu.memref_slice %arg15[%dma_start3A_114, %dma_start3A_115] : memref<10000x128xf32, #tpu.memory_space<vmem_shared>> -> memref<10000x128xf32, #tpu.memory_space<vmem_shared>>
          tpu.enqueue_indirect_dma source(%arg13 : memref<80x128xf32, #tpu.memory_space<vmem>>) target(%dma_start3A_116 : memref<10000x128xf32, #tpu.memory_space<vmem_shared>>) offsets(%arg11 : memref<80xi32, #tpu.memory_space<vmem>>) semaphore(%run_scoped3A : memref<!tpu.dma_semaphore, #tpu.memory_space<semaphore_mem>>) {add = true}
          %dma_wait3A_117 = arith.constant 0 : i32
          %dma_wait3A_118 = arith.constant 0 : i32
          %dma_wait3A_119 = tpu.memref_slice %arg15[%dma_wait3A_117, %dma_wait3A_118] : memref<10000x128xf32, #tpu.memory_space<vmem_shared>> -> memref<10000x128xf32, #tpu.memory_space<vmem_shared>>
          tpu.wait_indirect_dma semaphore(%run_scoped3A : memref<!tpu.dma_semaphore, #tpu.memory_space<semaphore_mem>>) src(%arg13 : memref<80x128xf32, #tpu.memory_space<vmem>>) dst(%dma_wait3A_119 : memref<10000x128xf32, #tpu.memory_space<vmem_shared>>)
          tpu.yield
        }) : () -> ()
        %add3A_80 = arith.constant 2 : i32
        %add3A_81 = arith.addi %mul3A_49, %add3A_80 : i32
        %mul3A_82 = arith.constant 10000 : i32
        %mul3A_83 = arith.muli %arg1, %mul3A_82 : i32
        %mul3A_84 = arith.constant 80 : i32
        %mul3A_85 = arith.muli %add3A_81, %mul3A_84 : i32
        %add3A_86 = arith.addi %mul3A_83, %mul3A_85 : i32
        %dma_start3A_87 = tpu.memref_slice %arg5[%add3A_86] : memref<160000xi32, #tpu.memory_space<hbm>> -> memref<80xi32, #tpu.memory_space<hbm>>
        %dma_start3A_88 = tpu.memref_slice %arg5[%add3A_86] : memref<160000xi32, #tpu.memory_space<hbm>> -> memref<80xi32, #tpu.memory_space<hbm>>
        tpu.enqueue_dma source(%dma_start3A_88 : memref<80xi32, #tpu.memory_space<hbm>>) target(%arg11 : memref<80xi32, #tpu.memory_space<vmem>>) target_semaphore(%arg18 : memref<!tpu.dma_semaphore, #tpu.memory_space<semaphore_mem>>)
        %add3A_89 = arith.constant 2 : i32
        %add3A_90 = arith.addi %mul3A_49, %add3A_89 : i32
        %dma_start3A_91 = arith.constant 0 : i32
        %dma_start3A_92 = tpu.memref_slice %arg10[%add3A_90, %dma_start3A_91] : memref<125x80xi32, #tpu.memory_space<vmem>> -> memref<1x80xi32, #tpu.memory_space<vmem>>
        %dma_start3A_93 = tpu.memref_squeeze %dma_start3A_92 : memref<1x80xi32, #tpu.memory_space<vmem>> -> memref<80xi32, #tpu.memory_space<vmem>>
        %dma_start3A_94 = arith.constant 0 : i32
        %dma_start3A_95 = arith.constant 0 : i32
        %dma_start3A_96 = tpu.memref_slice %arg2[%dma_start3A_94, %dma_start3A_95] : memref<10000x128xf32, #tpu.memory_space<hbm>> -> memref<10000x128xf32, #tpu.memory_space<hbm>>
        tpu.enqueue_indirect_dma source(%dma_start3A_96 : memref<10000x128xf32, #tpu.memory_space<hbm>>) target(%arg13 : memref<80x128xf32, #tpu.memory_space<vmem>>) offsets(%dma_start3A_93 : memref<80xi32, #tpu.memory_space<vmem>>) semaphore(%arg16 : memref<!tpu.dma_semaphore, #tpu.memory_space<semaphore_mem>>)
        %add3A_97 = arith.constant 1 : i32
        %add3A_98 = arith.addi %mul3A_49, %add3A_97 : i32
        %dma_wait3A_99 = arith.constant 0 : i32
        %dma_wait3A_100 = tpu.memref_slice %arg10[%add3A_98, %dma_wait3A_99] : memref<125x80xi32, #tpu.memory_space<vmem>> -> memref<1x80xi32, #tpu.memory_space<vmem>>
        %dma_wait3A_101 = tpu.memref_squeeze %dma_wait3A_100 : memref<1x80xi32, #tpu.memory_space<vmem>> -> memref<80xi32, #tpu.memory_space<vmem>>
        %dma_wait3A_102 = arith.constant 0 : i32
        %dma_wait3A_103 = arith.constant 0 : i32
        %dma_wait3A_104 = tpu.memref_slice %arg2[%dma_wait3A_102, %dma_wait3A_103] : memref<10000x128xf32, #tpu.memory_space<hbm>> -> memref<10000x128xf32, #tpu.memory_space<hbm>>
        tpu.wait_indirect_dma semaphore(%arg17 : memref<!tpu.dma_semaphore, #tpu.memory_space<semaphore_mem>>) src(%dma_wait3A_104 : memref<10000x128xf32, #tpu.memory_space<hbm>>) dst(%arg14 : memref<80x128xf32, #tpu.memory_space<vmem>>)
        %add3A_105 = arith.constant 1 : i32
        %add3A_106 = arith.addi %mul3A_49, %add3A_105 : i32
        %mul3A_107 = arith.constant 10000 : i32
        %mul3A_108 = arith.muli %arg1, %mul3A_107 : i32
        %mul3A_109 = arith.constant 80 : i32
        %mul3A_110 = arith.muli %add3A_106, %mul3A_109 : i32
        %add3A_111 = arith.addi %mul3A_108, %mul3A_110 : i32
        %dma_wait3A_112 = tpu.memref_slice %arg5[%add3A_111] : memref<160000xi32, #tpu.memory_space<hbm>> -> memref<80xi32, #tpu.memory_space<hbm>>
        %dma_wait3A_113 = tpu.memref_slice %arg5[%add3A_111] : memref<160000xi32, #tpu.memory_space<hbm>> -> memref<80xi32, #tpu.memory_space<hbm>>
        tpu.wait_dma2 semaphore(%arg19 : memref<!tpu.dma_semaphore, #tpu.memory_space<semaphore_mem>>) src(%dma_wait3A_113 : memref<80xi32, #tpu.memory_space<hbm>>) dst(%arg12 : memref<80xi32, #tpu.memory_space<vmem>>)
        "tpu.region"() ({
          %run_scoped3A = tpu.sem_alloc : memref<!tpu.dma_semaphore, #tpu.memory_space<semaphore_mem>>
          %dma_start3A_114 = arith.constant 0 : i32
          %dma_start3A_115 = arith.constant 0 : i32
          %dma_start3A_116 = tpu.memref_slice %arg15[%dma_start3A_114, %dma_start3A_115] : memref<10000x128xf32, #tpu.memory_space<vmem_shared>> -> memref<10000x128xf32, #tpu.memory_space<vmem_shared>>
          tpu.enqueue_indirect_dma source(%arg14 : memref<80x128xf32, #tpu.memory_space<vmem>>) target(%dma_start3A_116 : memref<10000x128xf32, #tpu.memory_space<vmem_shared>>) offsets(%arg12 : memref<80xi32, #tpu.memory_space<vmem>>) semaphore(%run_scoped3A : memref<!tpu.dma_semaphore, #tpu.memory_space<semaphore_mem>>) {add = true}
          %dma_wait3A_117 = arith.constant 0 : i32
          %dma_wait3A_118 = arith.constant 0 : i32
          %dma_wait3A_119 = tpu.memref_slice %arg15[%dma_wait3A_117, %dma_wait3A_118] : memref<10000x128xf32, #tpu.memory_space<vmem_shared>> -> memref<10000x128xf32, #tpu.memory_space<vmem_shared>>
          tpu.wait_indirect_dma semaphore(%run_scoped3A : memref<!tpu.dma_semaphore, #tpu.memory_space<semaphore_mem>>) src(%arg14 : memref<80x128xf32, #tpu.memory_space<vmem>>) dst(%dma_wait3A_119 : memref<10000x128xf32, #tpu.memory_space<vmem_shared>>)
          tpu.yield
        }) : () -> ()
      }
      %scan3A_28 = arith.constant 62 : i32
      %dma_wait3A = arith.constant 124 : i32
      %dma_wait3A_29 = arith.constant 0 : i32
      %dma_wait3A_30 = tpu.memref_slice %arg10[%dma_wait3A, %dma_wait3A_29] : memref<125x80xi32, #tpu.memory_space<vmem>> -> memref<1x80xi32, #tpu.memory_space<vmem>>
      %dma_wait3A_31 = tpu.memref_squeeze %dma_wait3A_30 : memref<1x80xi32, #tpu.memory_space<vmem>> -> memref<80xi32, #tpu.memory_space<vmem>>
      %dma_wait3A_32 = arith.constant 0 : i32
      %dma_wait3A_33 = arith.constant 0 : i32
      %dma_wait3A_34 = tpu.memref_slice %arg2[%dma_wait3A_32, %dma_wait3A_33] : memref<10000x128xf32, #tpu.memory_space<hbm>> -> memref<10000x128xf32, #tpu.memory_space<hbm>>
      tpu.wait_indirect_dma semaphore(%arg16 : memref<!tpu.dma_semaphore, #tpu.memory_space<semaphore_mem>>) src(%dma_wait3A_34 : memref<10000x128xf32, #tpu.memory_space<hbm>>) dst(%arg13 : memref<80x128xf32, #tpu.memory_space<vmem>>)
      %mul3A_35 = arith.constant 10000 : i32
      %mul3A_36 = arith.muli %arg1, %mul3A_35 : i32
      %add3A_37 = arith.constant 9920 : i32
      %add3A_38 = arith.addi %mul3A_36, %add3A_37 : i32
      %dma_wait3A_39 = tpu.memref_slice %arg5[%add3A_38] : memref<160000xi32, #tpu.memory_space<hbm>> -> memref<80xi32, #tpu.memory_space<hbm>>
      %dma_wait3A_40 = tpu.memref_slice %arg5[%add3A_38] : memref<160000xi32, #tpu.memory_space<hbm>> -> memref<80xi32, #tpu.memory_space<hbm>>
      tpu.wait_dma2 semaphore(%arg18 : memref<!tpu.dma_semaphore, #tpu.memory_space<semaphore_mem>>) src(%dma_wait3A_40 : memref<80xi32, #tpu.memory_space<hbm>>) dst(%arg11 : memref<80xi32, #tpu.memory_space<vmem>>)
      "tpu.region"() ({
        %run_scoped3A = tpu.sem_alloc : memref<!tpu.dma_semaphore, #tpu.memory_space<semaphore_mem>>
        %dma_start3A_47 = arith.constant 0 : i32
        %dma_start3A_48 = arith.constant 0 : i32
        %dma_start3A_49 = tpu.memref_slice %arg15[%dma_start3A_47, %dma_start3A_48] : memref<10000x128xf32, #tpu.memory_space<vmem_shared>> -> memref<10000x128xf32, #tpu.memory_space<vmem_shared>>
        tpu.enqueue_indirect_dma source(%arg13 : memref<80x128xf32, #tpu.memory_space<vmem>>) target(%dma_start3A_49 : memref<10000x128xf32, #tpu.memory_space<vmem_shared>>) offsets(%arg11 : memref<80xi32, #tpu.memory_space<vmem>>) semaphore(%run_scoped3A : memref<!tpu.dma_semaphore, #tpu.memory_space<semaphore_mem>>) {add = true}
        %dma_wait3A_50 = arith.constant 0 : i32
        %dma_wait3A_51 = arith.constant 0 : i32
        %dma_wait3A_52 = tpu.memref_slice %arg15[%dma_wait3A_50, %dma_wait3A_51] : memref<10000x128xf32, #tpu.memory_space<vmem_shared>> -> memref<10000x128xf32, #tpu.memory_space<vmem_shared>>
        tpu.wait_indirect_dma semaphore(%run_scoped3A : memref<!tpu.dma_semaphore, #tpu.memory_space<semaphore_mem>>) src(%arg13 : memref<80x128xf32, #tpu.memory_space<vmem>>) dst(%dma_wait3A_52 : memref<10000x128xf32, #tpu.memory_space<vmem_shared>>)
        tpu.yield
      }) : () -> ()
      %barrier3A_41 = arith.constant 0 : index
      tpu.barrier barrier_id(%barrier3A_41)
      "tpu.region"() ({
        %run_scoped3A = tpu.sem_alloc : memref<!tpu.dma_semaphore, #tpu.memory_space<semaphore_mem>>
        %dma_start3A_47 = arith.constant 0 : i32
        %dma_start3A_48 = tpu.memref_slice %arg8[%multiple_of3A, %dma_start3A_47] : memref<10000x128xf32, #tpu.memory_space<hbm>> -> memref<624x128xf32, #tpu.memory_space<hbm>>
        %dma_start3A_49 = arith.constant 0 : i32
        %dma_start3A_50 = tpu.memref_slice %arg15[%multiple_of3A, %dma_start3A_49] : memref<10000x128xf32, #tpu.memory_space<vmem_shared>> -> memref<624x128xf32, #tpu.memory_space<vmem_shared>>
        tpu.enqueue_dma source(%dma_start3A_50 : memref<624x128xf32, #tpu.memory_space<vmem_shared>>) target(%dma_start3A_48 : memref<624x128xf32, #tpu.memory_space<hbm>>) target_semaphore(%run_scoped3A : memref<!tpu.dma_semaphore, #tpu.memory_space<semaphore_mem>>)
        %dma_wait3A_51 = arith.constant 0 : i32
        %dma_wait3A_52 = tpu.memref_slice %arg8[%multiple_of3A, %dma_wait3A_51] : memref<10000x128xf32, #tpu.memory_space<hbm>> -> memref<624x128xf32, #tpu.memory_space<hbm>>
        %dma_wait3A_53 = arith.constant 0 : i32
        %dma_wait3A_54 = tpu.memref_slice %arg15[%multiple_of3A, %dma_wait3A_53] : memref<10000x128xf32, #tpu.memory_space<vmem_shared>> -> memref<624x128xf32, #tpu.memory_space<vmem_shared>>
        tpu.wait_dma2 semaphore(%run_scoped3A : memref<!tpu.dma_semaphore, #tpu.memory_space<semaphore_mem>>) src(%dma_wait3A_54 : memref<624x128xf32, #tpu.memory_space<vmem_shared>>) dst(%dma_wait3A_52 : memref<624x128xf32, #tpu.memory_space<hbm>>)
        tpu.yield
      }) : () -> ()
      %eq3A_42 = arith.constant 15 : i32
      %eq3A_43 = arith.cmpi eq, %arg1, %eq3A_42 : i32
      %convert_element_type3A_44 = arith.extui %eq3A_43 : i1 to i32
      %cond3A_45 = arith.constant 0 : i32
      %cond3A_46 = arith.cmpi ne, %convert_element_type3A_44, %cond3A_45 : i32
      scf.if %cond3A_46 {
        "tpu.region"() ({
          %run_scoped3A = tpu.sem_alloc : memref<!tpu.dma_semaphore, #tpu.memory_space<semaphore_mem>>
          %dma_start3A_47 = arith.constant 9984 : i32
          %dma_start3A_48 = arith.constant 0 : i32
          %dma_start3A_49 = tpu.memref_slice %arg8[%dma_start3A_47, %dma_start3A_48] : memref<10000x128xf32, #tpu.memory_space<hbm>> -> memref<16x128xf32, #tpu.memory_space<hbm>>
          %dma_start3A_50 = arith.constant 9984 : i32
          %dma_start3A_51 = arith.constant 0 : i32
          %dma_start3A_52 = tpu.memref_slice %arg15[%dma_start3A_50, %dma_start3A_51] : memref<10000x128xf32, #tpu.memory_space<vmem_shared>> -> memref<16x128xf32, #tpu.memory_space<vmem_shared>>
          tpu.enqueue_dma source(%dma_start3A_52 : memref<16x128xf32, #tpu.memory_space<vmem_shared>>) target(%dma_start3A_49 : memref<16x128xf32, #tpu.memory_space<hbm>>) target_semaphore(%run_scoped3A : memref<!tpu.dma_semaphore, #tpu.memory_space<semaphore_mem>>)
          %dma_wait3A_53 = arith.constant 9984 : i32
          %dma_wait3A_54 = arith.constant 0 : i32
          %dma_wait3A_55 = tpu.memref_slice %arg8[%dma_wait3A_53, %dma_wait3A_54] : memref<10000x128xf32, #tpu.memory_space<hbm>> -> memref<16x128xf32, #tpu.memory_space<hbm>>
          %dma_wait3A_56 = arith.constant 9984 : i32
          %dma_wait3A_57 = arith.constant 0 : i32
          %dma_wait3A_58 = tpu.memref_slice %arg15[%dma_wait3A_56, %dma_wait3A_57] : memref<10000x128xf32, #tpu.memory_space<vmem_shared>> -> memref<16x128xf32, #tpu.memory_space<vmem_shared>>
          tpu.wait_dma2 semaphore(%run_scoped3A : memref<!tpu.dma_semaphore, #tpu.memory_space<semaphore_mem>>) src(%dma_wait3A_58 : memref<16x128xf32, #tpu.memory_space<vmem_shared>>) dst(%dma_wait3A_55 : memref<16x128xf32, #tpu.memory_space<hbm>>)
          tpu.yield
        }) : () -> ()
      } else {
      }
    } else {
    }
    %eq3A_2 = arith.constant 1 : i32
    %eq3A_3 = arith.cmpi eq, %arg0, %eq3A_2 : i32
    %convert_element_type3A_4 = arith.extui %eq3A_3 : i1 to i32
    %cond3A_5 = arith.constant 0 : i32
    %cond3A_6 = arith.cmpi ne, %convert_element_type3A_4, %cond3A_5 : i32
    scf.if %cond3A_6 {
      "tpu.region"() ({
        %run_scoped3A = tpu.sem_alloc : memref<!tpu.dma_semaphore, #tpu.memory_space<semaphore_mem>>
        %dma_start3A_47 = arith.constant 0 : i32
        %dma_start3A_48 = arith.constant 0 : i32
        %dma_start3A_49 = tpu.memref_slice %arg4[%arg1, %dma_start3A_47, %dma_start3A_48] : memref<16x125x80xi32, #tpu.memory_space<hbm>> -> memref<1x125x80xi32, #tpu.memory_space<hbm>>
        %dma_start3A_50 = tpu.memref_squeeze %dma_start3A_49 : memref<1x125x80xi32, #tpu.memory_space<hbm>> -> memref<125x80xi32, #tpu.memory_space<hbm>>
        %dma_start3A_51 = arith.constant 0 : i32
        %dma_start3A_52 = arith.constant 0 : i32
        %dma_start3A_53 = tpu.memref_slice %arg4[%arg1, %dma_start3A_51, %dma_start3A_52] : memref<16x125x80xi32, #tpu.memory_space<hbm>> -> memref<1x125x80xi32, #tpu.memory_space<hbm>>
        %dma_start3A_54 = tpu.memref_squeeze %dma_start3A_53 : memref<1x125x80xi32, #tpu.memory_space<hbm>> -> memref<125x80xi32, #tpu.memory_space<hbm>>
        tpu.enqueue_dma source(%dma_start3A_54 : memref<125x80xi32, #tpu.memory_space<hbm>>) target(%arg10 : memref<125x80xi32, #tpu.memory_space<vmem>>) target_semaphore(%run_scoped3A : memref<!tpu.dma_semaphore, #tpu.memory_space<semaphore_mem>>)
        %dma_wait3A_55 = arith.constant 0 : i32
        %dma_wait3A_56 = arith.constant 0 : i32
        %dma_wait3A_57 = tpu.memref_slice %arg4[%arg1, %dma_wait3A_55, %dma_wait3A_56] : memref<16x125x80xi32, #tpu.memory_space<hbm>> -> memref<1x125x80xi32, #tpu.memory_space<hbm>>
        %dma_wait3A_58 = tpu.memref_squeeze %dma_wait3A_57 : memref<1x125x80xi32, #tpu.memory_space<hbm>> -> memref<125x80xi32, #tpu.memory_space<hbm>>
        %dma_wait3A_59 = arith.constant 0 : i32
        %dma_wait3A_60 = arith.constant 0 : i32
        %dma_wait3A_61 = tpu.memref_slice %arg4[%arg1, %dma_wait3A_59, %dma_wait3A_60] : memref<16x125x80xi32, #tpu.memory_space<hbm>> -> memref<1x125x80xi32, #tpu.memory_space<hbm>>
        %dma_wait3A_62 = tpu.memref_squeeze %dma_wait3A_61 : memref<1x125x80xi32, #tpu.memory_space<hbm>> -> memref<125x80xi32, #tpu.memory_space<hbm>>
        tpu.wait_dma2 semaphore(%run_scoped3A : memref<!tpu.dma_semaphore, #tpu.memory_space<semaphore_mem>>) src(%dma_wait3A_62 : memref<125x80xi32, #tpu.memory_space<hbm>>) dst(%arg10 : memref<125x80xi32, #tpu.memory_space<vmem>>)
        tpu.yield
      }) : () -> ()
      %mul3A = arith.constant 624 : i32
      %mul3A_7 = arith.muli %arg1, %mul3A : i32
      %multiple_of3A = tpu.assume_multiple %mul3A_7, 8 : i32
      "tpu.region"() ({
        %run_scoped3A = tpu.sem_alloc : memref<!tpu.dma_semaphore, #tpu.memory_space<semaphore_mem>>
        %dma_start3A_47 = arith.constant 0 : i32
        %dma_start3A_48 = tpu.memref_slice %arg15[%multiple_of3A, %dma_start3A_47] : memref<10000x128xf32, #tpu.memory_space<vmem_shared>> -> memref<624x128xf32, #tpu.memory_space<vmem_shared>>
        %dma_start3A_49 = arith.constant 0 : i32
        %dma_start3A_50 = arith.constant 0 : i32
        %dma_start3A_51 = tpu.memref_slice %arg7[%dma_start3A_49, %dma_start3A_50] : memref<624x128xf32, #tpu.memory_space<hbm>> -> memref<624x128xf32, #tpu.memory_space<hbm>>
        tpu.enqueue_dma source(%dma_start3A_51 : memref<624x128xf32, #tpu.memory_space<hbm>>) target(%dma_start3A_48 : memref<624x128xf32, #tpu.memory_space<vmem_shared>>) target_semaphore(%run_scoped3A : memref<!tpu.dma_semaphore, #tpu.memory_space<semaphore_mem>>)
        %dma_wait3A_52 = arith.constant 0 : i32
        %dma_wait3A_53 = tpu.memref_slice %arg15[%multiple_of3A, %dma_wait3A_52] : memref<10000x128xf32, #tpu.memory_space<vmem_shared>> -> memref<624x128xf32, #tpu.memory_space<vmem_shared>>
        %dma_wait3A_54 = arith.constant 0 : i32
        %dma_wait3A_55 = arith.constant 0 : i32
        %dma_wait3A_56 = tpu.memref_slice %arg7[%dma_wait3A_54, %dma_wait3A_55] : memref<624x128xf32, #tpu.memory_space<hbm>> -> memref<624x128xf32, #tpu.memory_space<hbm>>
        tpu.wait_dma2 semaphore(%run_scoped3A : memref<!tpu.dma_semaphore, #tpu.memory_space<semaphore_mem>>) src(%dma_wait3A_56 : memref<624x128xf32, #tpu.memory_space<hbm>>) dst(%dma_wait3A_53 : memref<624x128xf32, #tpu.memory_space<vmem_shared>>)
        tpu.yield
      }) : () -> ()
      %eq3A_8 = arith.constant 15 : i32
      %eq3A_9 = arith.cmpi eq, %arg1, %eq3A_8 : i32
      %convert_element_type3A_10 = arith.extui %eq3A_9 : i1 to i32
      %cond3A_11 = arith.constant 0 : i32
      %cond3A_12 = arith.cmpi ne, %convert_element_type3A_10, %cond3A_11 : i32
      scf.if %cond3A_12 {
        "tpu.region"() ({
          %run_scoped3A = tpu.sem_alloc : memref<!tpu.dma_semaphore, #tpu.memory_space<semaphore_mem>>
          %dma_start3A_47 = arith.constant 9984 : i32
          %dma_start3A_48 = arith.constant 0 : i32
          %dma_start3A_49 = tpu.memref_slice %arg15[%dma_start3A_47, %dma_start3A_48] : memref<10000x128xf32, #tpu.memory_space<vmem_shared>> -> memref<16x128xf32, #tpu.memory_space<vmem_shared>>
          %dma_start3A_50 = arith.constant 0 : i32
          %dma_start3A_51 = arith.constant 0 : i32
          %dma_start3A_52 = tpu.memref_slice %arg7[%dma_start3A_50, %dma_start3A_51] : memref<624x128xf32, #tpu.memory_space<hbm>> -> memref<16x128xf32, #tpu.memory_space<hbm>>
          tpu.enqueue_dma source(%dma_start3A_52 : memref<16x128xf32, #tpu.memory_space<hbm>>) target(%dma_start3A_49 : memref<16x128xf32, #tpu.memory_space<vmem_shared>>) target_semaphore(%run_scoped3A : memref<!tpu.dma_semaphore, #tpu.memory_space<semaphore_mem>>)
          %dma_wait3A_53 = arith.constant 9984 : i32
          %dma_wait3A_54 = arith.constant 0 : i32
          %dma_wait3A_55 = tpu.memref_slice %arg15[%dma_wait3A_53, %dma_wait3A_54] : memref<10000x128xf32, #tpu.memory_space<vmem_shared>> -> memref<16x128xf32, #tpu.memory_space<vmem_shared>>
          %dma_wait3A_56 = arith.constant 0 : i32
          %dma_wait3A_57 = arith.constant 0 : i32
          %dma_wait3A_58 = tpu.memref_slice %arg7[%dma_wait3A_56, %dma_wait3A_57] : memref<624x128xf32, #tpu.memory_space<hbm>> -> memref<16x128xf32, #tpu.memory_space<hbm>>
          tpu.wait_dma2 semaphore(%run_scoped3A : memref<!tpu.dma_semaphore, #tpu.memory_space<semaphore_mem>>) src(%dma_wait3A_58 : memref<16x128xf32, #tpu.memory_space<hbm>>) dst(%dma_wait3A_55 : memref<16x128xf32, #tpu.memory_space<vmem_shared>>)
          tpu.yield
        }) : () -> ()
      } else {
      }
      %barrier3A = arith.constant 0 : index
      tpu.barrier barrier_id(%barrier3A)
      %mul3A_13 = arith.constant 10000 : i32
      %mul3A_14 = arith.muli %arg1, %mul3A_13 : i32
      %add3A = arith.constant 0 : i32
      %add3A_15 = arith.addi %mul3A_14, %add3A : i32
      %dma_start3A = tpu.memref_slice %arg5[%add3A_15] : memref<160000xi32, #tpu.memory_space<hbm>> -> memref<80xi32, #tpu.memory_space<hbm>>
      %dma_start3A_16 = tpu.memref_slice %arg5[%add3A_15] : memref<160000xi32, #tpu.memory_space<hbm>> -> memref<80xi32, #tpu.memory_space<hbm>>
      tpu.enqueue_dma source(%dma_start3A_16 : memref<80xi32, #tpu.memory_space<hbm>>) target(%arg11 : memref<80xi32, #tpu.memory_space<vmem>>) target_semaphore(%arg18 : memref<!tpu.dma_semaphore, #tpu.memory_space<semaphore_mem>>)
      %dma_start3A_17 = arith.constant 0 : i32
      %dma_start3A_18 = arith.constant 0 : i32
      %dma_start3A_19 = tpu.memref_slice %arg10[%dma_start3A_17, %dma_start3A_18] : memref<125x80xi32, #tpu.memory_space<vmem>> -> memref<1x80xi32, #tpu.memory_space<vmem>>
      %dma_start3A_20 = tpu.memref_squeeze %dma_start3A_19 : memref<1x80xi32, #tpu.memory_space<vmem>> -> memref<80xi32, #tpu.memory_space<vmem>>
      %dma_start3A_21 = arith.constant 0 : i32
      %dma_start3A_22 = arith.constant 0 : i32
      %dma_start3A_23 = tpu.memref_slice %arg3[%dma_start3A_21, %dma_start3A_22] : memref<10000x128xf32, #tpu.memory_space<hbm>> -> memref<10000x128xf32, #tpu.memory_space<hbm>>
      tpu.enqueue_indirect_dma source(%dma_start3A_23 : memref<10000x128xf32, #tpu.memory_space<hbm>>) target(%arg13 : memref<80x128xf32, #tpu.memory_space<vmem>>) offsets(%dma_start3A_20 : memref<80xi32, #tpu.memory_space<vmem>>) semaphore(%arg16 : memref<!tpu.dma_semaphore, #tpu.memory_space<semaphore_mem>>)
      %scan3A = arith.constant 0 : i32
      %scan3A_24 = arith.constant 0 : i32
      %scan3A_25 = arith.constant 62 : i32
      %scan3A_26 = arith.addi %scan3A_24, %scan3A_25 : i32
      %scan3A_27 = arith.constant 1 : i32
      scf.for %scan3A_47 = %scan3A_24 to %scan3A_26 step %scan3A_27  : i32 {
        %mul3A_48 = arith.constant 2 : i32
        %mul3A_49 = arith.muli %mul3A_48, %scan3A_47 : i32
        %add3A_50 = arith.constant 1 : i32
        %add3A_51 = arith.addi %mul3A_49, %add3A_50 : i32
        %mul3A_52 = arith.constant 10000 : i32
        %mul3A_53 = arith.muli %arg1, %mul3A_52 : i32
        %mul3A_54 = arith.constant 80 : i32
        %mul3A_55 = arith.muli %add3A_51, %mul3A_54 : i32
        %add3A_56 = arith.addi %mul3A_53, %mul3A_55 : i32
        %dma_start3A_57 = tpu.memref_slice %arg5[%add3A_56] : memref<160000xi32, #tpu.memory_space<hbm>> -> memref<80xi32, #tpu.memory_space<hbm>>
        %dma_start3A_58 = tpu.memref_slice %arg5[%add3A_56] : memref<160000xi32, #tpu.memory_space<hbm>> -> memref<80xi32, #tpu.memory_space<hbm>>
        tpu.enqueue_dma source(%dma_start3A_58 : memref<80xi32, #tpu.memory_space<hbm>>) target(%arg12 : memref<80xi32, #tpu.memory_space<vmem>>) target_semaphore(%arg19 : memref<!tpu.dma_semaphore, #tpu.memory_space<semaphore_mem>>)
        %add3A_59 = arith.constant 1 : i32
        %add3A_60 = arith.addi %mul3A_49, %add3A_59 : i32
        %dma_start3A_61 = arith.constant 0 : i32
        %dma_start3A_62 = tpu.memref_slice %arg10[%add3A_60, %dma_start3A_61] : memref<125x80xi32, #tpu.memory_space<vmem>> -> memref<1x80xi32, #tpu.memory_space<vmem>>
        %dma_start3A_63 = tpu.memref_squeeze %dma_start3A_62 : memref<1x80xi32, #tpu.memory_space<vmem>> -> memref<80xi32, #tpu.memory_space<vmem>>
        %dma_start3A_64 = arith.constant 0 : i32
        %dma_start3A_65 = arith.constant 0 : i32
        %dma_start3A_66 = tpu.memref_slice %arg3[%dma_start3A_64, %dma_start3A_65] : memref<10000x128xf32, #tpu.memory_space<hbm>> -> memref<10000x128xf32, #tpu.memory_space<hbm>>
        tpu.enqueue_indirect_dma source(%dma_start3A_66 : memref<10000x128xf32, #tpu.memory_space<hbm>>) target(%arg14 : memref<80x128xf32, #tpu.memory_space<vmem>>) offsets(%dma_start3A_63 : memref<80xi32, #tpu.memory_space<vmem>>) semaphore(%arg17 : memref<!tpu.dma_semaphore, #tpu.memory_space<semaphore_mem>>)
        %dma_wait3A_67 = arith.constant 0 : i32
        %dma_wait3A_68 = tpu.memref_slice %arg10[%mul3A_49, %dma_wait3A_67] : memref<125x80xi32, #tpu.memory_space<vmem>> -> memref<1x80xi32, #tpu.memory_space<vmem>>
        %dma_wait3A_69 = tpu.memref_squeeze %dma_wait3A_68 : memref<1x80xi32, #tpu.memory_space<vmem>> -> memref<80xi32, #tpu.memory_space<vmem>>
        %dma_wait3A_70 = arith.constant 0 : i32
        %dma_wait3A_71 = arith.constant 0 : i32
        %dma_wait3A_72 = tpu.memref_slice %arg3[%dma_wait3A_70, %dma_wait3A_71] : memref<10000x128xf32, #tpu.memory_space<hbm>> -> memref<10000x128xf32, #tpu.memory_space<hbm>>
        tpu.wait_indirect_dma semaphore(%arg16 : memref<!tpu.dma_semaphore, #tpu.memory_space<semaphore_mem>>) src(%dma_wait3A_72 : memref<10000x128xf32, #tpu.memory_space<hbm>>) dst(%arg13 : memref<80x128xf32, #tpu.memory_space<vmem>>)
        %mul3A_73 = arith.constant 10000 : i32
        %mul3A_74 = arith.muli %arg1, %mul3A_73 : i32
        %mul3A_75 = arith.constant 80 : i32
        %mul3A_76 = arith.muli %mul3A_49, %mul3A_75 : i32
        %add3A_77 = arith.addi %mul3A_74, %mul3A_76 : i32
        %dma_wait3A_78 = tpu.memref_slice %arg5[%add3A_77] : memref<160000xi32, #tpu.memory_space<hbm>> -> memref<80xi32, #tpu.memory_space<hbm>>
        %dma_wait3A_79 = tpu.memref_slice %arg5[%add3A_77] : memref<160000xi32, #tpu.memory_space<hbm>> -> memref<80xi32, #tpu.memory_space<hbm>>
        tpu.wait_dma2 semaphore(%arg18 : memref<!tpu.dma_semaphore, #tpu.memory_space<semaphore_mem>>) src(%dma_wait3A_79 : memref<80xi32, #tpu.memory_space<hbm>>) dst(%arg11 : memref<80xi32, #tpu.memory_space<vmem>>)
        "tpu.region"() ({
          %run_scoped3A = tpu.sem_alloc : memref<!tpu.dma_semaphore, #tpu.memory_space<semaphore_mem>>
          %dma_start3A_114 = arith.constant 0 : i32
          %dma_start3A_115 = arith.constant 0 : i32
          %dma_start3A_116 = tpu.memref_slice %arg15[%dma_start3A_114, %dma_start3A_115] : memref<10000x128xf32, #tpu.memory_space<vmem_shared>> -> memref<10000x128xf32, #tpu.memory_space<vmem_shared>>
          tpu.enqueue_indirect_dma source(%arg13 : memref<80x128xf32, #tpu.memory_space<vmem>>) target(%dma_start3A_116 : memref<10000x128xf32, #tpu.memory_space<vmem_shared>>) offsets(%arg11 : memref<80xi32, #tpu.memory_space<vmem>>) semaphore(%run_scoped3A : memref<!tpu.dma_semaphore, #tpu.memory_space<semaphore_mem>>) {add = true}
          %dma_wait3A_117 = arith.constant 0 : i32
          %dma_wait3A_118 = arith.constant 0 : i32
          %dma_wait3A_119 = tpu.memref_slice %arg15[%dma_wait3A_117, %dma_wait3A_118] : memref<10000x128xf32, #tpu.memory_space<vmem_shared>> -> memref<10000x128xf32, #tpu.memory_space<vmem_shared>>
          tpu.wait_indirect_dma semaphore(%run_scoped3A : memref<!tpu.dma_semaphore, #tpu.memory_space<semaphore_mem>>) src(%arg13 : memref<80x128xf32, #tpu.memory_space<vmem>>) dst(%dma_wait3A_119 : memref<10000x128xf32, #tpu.memory_space<vmem_shared>>)
          tpu.yield
        }) : () -> ()
        %add3A_80 = arith.constant 2 : i32
        %add3A_81 = arith.addi %mul3A_49, %add3A_80 : i32
        %mul3A_82 = arith.constant 10000 : i32
        %mul3A_83 = arith.muli %arg1, %mul3A_82 : i32
        %mul3A_84 = arith.constant 80 : i32
        %mul3A_85 = arith.muli %add3A_81, %mul3A_84 : i32
        %add3A_86 = arith.addi %mul3A_83, %mul3A_85 : i32
        %dma_start3A_87 = tpu.memref_slice %arg5[%add3A_86] : memref<160000xi32, #tpu.memory_space<hbm>> -> memref<80xi32, #tpu.memory_space<hbm>>
        %dma_start3A_88 = tpu.memref_slice %arg5[%add3A_86] : memref<160000xi32, #tpu.memory_space<hbm>> -> memref<80xi32, #tpu.memory_space<hbm>>
        tpu.enqueue_dma source(%dma_start3A_88 : memref<80xi32, #tpu.memory_space<hbm>>) target(%arg11 : memref<80xi32, #tpu.memory_space<vmem>>) target_semaphore(%arg18 : memref<!tpu.dma_semaphore, #tpu.memory_space<semaphore_mem>>)
        %add3A_89 = arith.constant 2 : i32
        %add3A_90 = arith.addi %mul3A_49, %add3A_89 : i32
        %dma_start3A_91 = arith.constant 0 : i32
        %dma_start3A_92 = tpu.memref_slice %arg10[%add3A_90, %dma_start3A_91] : memref<125x80xi32, #tpu.memory_space<vmem>> -> memref<1x80xi32, #tpu.memory_space<vmem>>
        %dma_start3A_93 = tpu.memref_squeeze %dma_start3A_92 : memref<1x80xi32, #tpu.memory_space<vmem>> -> memref<80xi32, #tpu.memory_space<vmem>>
        %dma_start3A_94 = arith.constant 0 : i32
        %dma_start3A_95 = arith.constant 0 : i32
        %dma_start3A_96 = tpu.memref_slice %arg3[%dma_start3A_94, %dma_start3A_95] : memref<10000x128xf32, #tpu.memory_space<hbm>> -> memref<10000x128xf32, #tpu.memory_space<hbm>>
        tpu.enqueue_indirect_dma source(%dma_start3A_96 : memref<10000x128xf32, #tpu.memory_space<hbm>>) target(%arg13 : memref<80x128xf32, #tpu.memory_space<vmem>>) offsets(%dma_start3A_93 : memref<80xi32, #tpu.memory_space<vmem>>) semaphore(%arg16 : memref<!tpu.dma_semaphore, #tpu.memory_space<semaphore_mem>>)
        %add3A_97 = arith.constant 1 : i32
        %add3A_98 = arith.addi %mul3A_49, %add3A_97 : i32
        %dma_wait3A_99 = arith.constant 0 : i32
        %dma_wait3A_100 = tpu.memref_slice %arg10[%add3A_98, %dma_wait3A_99] : memref<125x80xi32, #tpu.memory_space<vmem>> -> memref<1x80xi32, #tpu.memory_space<vmem>>
        %dma_wait3A_101 = tpu.memref_squeeze %dma_wait3A_100 : memref<1x80xi32, #tpu.memory_space<vmem>> -> memref<80xi32, #tpu.memory_space<vmem>>
        %dma_wait3A_102 = arith.constant 0 : i32
        %dma_wait3A_103 = arith.constant 0 : i32
        %dma_wait3A_104 = tpu.memref_slice %arg3[%dma_wait3A_102, %dma_wait3A_103] : memref<10000x128xf32, #tpu.memory_space<hbm>> -> memref<10000x128xf32, #tpu.memory_space<hbm>>
        tpu.wait_indirect_dma semaphore(%arg17 : memref<!tpu.dma_semaphore, #tpu.memory_space<semaphore_mem>>) src(%dma_wait3A_104 : memref<10000x128xf32, #tpu.memory_space<hbm>>) dst(%arg14 : memref<80x128xf32, #tpu.memory_space<vmem>>)
        %add3A_105 = arith.constant 1 : i32
        %add3A_106 = arith.addi %mul3A_49, %add3A_105 : i32
        %mul3A_107 = arith.constant 10000 : i32
        %mul3A_108 = arith.muli %arg1, %mul3A_107 : i32
        %mul3A_109 = arith.constant 80 : i32
        %mul3A_110 = arith.muli %add3A_106, %mul3A_109 : i32
        %add3A_111 = arith.addi %mul3A_108, %mul3A_110 : i32
        %dma_wait3A_112 = tpu.memref_slice %arg5[%add3A_111] : memref<160000xi32, #tpu.memory_space<hbm>> -> memref<80xi32, #tpu.memory_space<hbm>>
        %dma_wait3A_113 = tpu.memref_slice %arg5[%add3A_111] : memref<160000xi32, #tpu.memory_space<hbm>> -> memref<80xi32, #tpu.memory_space<hbm>>
        tpu.wait_dma2 semaphore(%arg19 : memref<!tpu.dma_semaphore, #tpu.memory_space<semaphore_mem>>) src(%dma_wait3A_113 : memref<80xi32, #tpu.memory_space<hbm>>) dst(%arg12 : memref<80xi32, #tpu.memory_space<vmem>>)
        "tpu.region"() ({
          %run_scoped3A = tpu.sem_alloc : memref<!tpu.dma_semaphore, #tpu.memory_space<semaphore_mem>>
          %dma_start3A_114 = arith.constant 0 : i32
          %dma_start3A_115 = arith.constant 0 : i32
          %dma_start3A_116 = tpu.memref_slice %arg15[%dma_start3A_114, %dma_start3A_115] : memref<10000x128xf32, #tpu.memory_space<vmem_shared>> -> memref<10000x128xf32, #tpu.memory_space<vmem_shared>>
          tpu.enqueue_indirect_dma source(%arg14 : memref<80x128xf32, #tpu.memory_space<vmem>>) target(%dma_start3A_116 : memref<10000x128xf32, #tpu.memory_space<vmem_shared>>) offsets(%arg12 : memref<80xi32, #tpu.memory_space<vmem>>) semaphore(%run_scoped3A : memref<!tpu.dma_semaphore, #tpu.memory_space<semaphore_mem>>) {add = true}
          %dma_wait3A_117 = arith.constant 0 : i32
          %dma_wait3A_118 = arith.constant 0 : i32
          %dma_wait3A_119 = tpu.memref_slice %arg15[%dma_wait3A_117, %dma_wait3A_118] : memref<10000x128xf32, #tpu.memory_space<vmem_shared>> -> memref<10000x128xf32, #tpu.memory_space<vmem_shared>>
          tpu.wait_indirect_dma semaphore(%run_scoped3A : memref<!tpu.dma_semaphore, #tpu.memory_space<semaphore_mem>>) src(%arg14 : memref<80x128xf32, #tpu.memory_space<vmem>>) dst(%dma_wait3A_119 : memref<10000x128xf32, #tpu.memory_space<vmem_shared>>)
          tpu.yield
        }) : () -> ()
      }
      %scan3A_28 = arith.constant 62 : i32
      %dma_wait3A = arith.constant 124 : i32
      %dma_wait3A_29 = arith.constant 0 : i32
      %dma_wait3A_30 = tpu.memref_slice %arg10[%dma_wait3A, %dma_wait3A_29] : memref<125x80xi32, #tpu.memory_space<vmem>> -> memref<1x80xi32, #tpu.memory_space<vmem>>
      %dma_wait3A_31 = tpu.memref_squeeze %dma_wait3A_30 : memref<1x80xi32, #tpu.memory_space<vmem>> -> memref<80xi32, #tpu.memory_space<vmem>>
      %dma_wait3A_32 = arith.constant 0 : i32
      %dma_wait3A_33 = arith.constant 0 : i32
      %dma_wait3A_34 = tpu.memref_slice %arg3[%dma_wait3A_32, %dma_wait3A_33] : memref<10000x128xf32, #tpu.memory_space<hbm>> -> memref<10000x128xf32, #tpu.memory_space<hbm>>
      tpu.wait_indirect_dma semaphore(%arg16 : memref<!tpu.dma_semaphore, #tpu.memory_space<semaphore_mem>>) src(%dma_wait3A_34 : memref<10000x128xf32, #tpu.memory_space<hbm>>) dst(%arg13 : memref<80x128xf32, #tpu.memory_space<vmem>>)
      %mul3A_35 = arith.constant 10000 : i32
      %mul3A_36 = arith.muli %arg1, %mul3A_35 : i32
      %add3A_37 = arith.constant 9920 : i32
      %add3A_38 = arith.addi %mul3A_36, %add3A_37 : i32
      %dma_wait3A_39 = tpu.memref_slice %arg5[%add3A_38] : memref<160000xi32, #tpu.memory_space<hbm>> -> memref<80xi32, #tpu.memory_space<hbm>>
      %dma_wait3A_40 = tpu.memref_slice %arg5[%add3A_38] : memref<160000xi32, #tpu.memory_space<hbm>> -> memref<80xi32, #tpu.memory_space<hbm>>
      tpu.wait_dma2 semaphore(%arg18 : memref<!tpu.dma_semaphore, #tpu.memory_space<semaphore_mem>>) src(%dma_wait3A_40 : memref<80xi32, #tpu.memory_space<hbm>>) dst(%arg11 : memref<80xi32, #tpu.memory_space<vmem>>)
      "tpu.region"() ({
        %run_scoped3A = tpu.sem_alloc : memref<!tpu.dma_semaphore, #tpu.memory_space<semaphore_mem>>
        %dma_start3A_47 = arith.constant 0 : i32
        %dma_start3A_48 = arith.constant 0 : i32
        %dma_start3A_49 = tpu.memref_slice %arg15[%dma_start3A_47, %dma_start3A_48] : memref<10000x128xf32, #tpu.memory_space<vmem_shared>> -> memref<10000x128xf32, #tpu.memory_space<vmem_shared>>
        tpu.enqueue_indirect_dma source(%arg13 : memref<80x128xf32, #tpu.memory_space<vmem>>) target(%dma_start3A_49 : memref<10000x128xf32, #tpu.memory_space<vmem_shared>>) offsets(%arg11 : memref<80xi32, #tpu.memory_space<vmem>>) semaphore(%run_scoped3A : memref<!tpu.dma_semaphore, #tpu.memory_space<semaphore_mem>>) {add = true}
        %dma_wait3A_50 = arith.constant 0 : i32
        %dma_wait3A_51 = arith.constant 0 : i32
        %dma_wait3A_52 = tpu.memref_slice %arg15[%dma_wait3A_50, %dma_wait3A_51] : memref<10000x128xf32, #tpu.memory_space<vmem_shared>> -> memref<10000x128xf32, #tpu.memory_space<vmem_shared>>
        tpu.wait_indirect_dma semaphore(%run_scoped3A : memref<!tpu.dma_semaphore, #tpu.memory_space<semaphore_mem>>) src(%arg13 : memref<80x128xf32, #tpu.memory_space<vmem>>) dst(%dma_wait3A_52 : memref<10000x128xf32, #tpu.memory_space<vmem_shared>>)
        tpu.yield
      }) : () -> ()
      %barrier3A_41 = arith.constant 0 : index
      tpu.barrier barrier_id(%barrier3A_41)
      "tpu.region"() ({
        %run_scoped3A = tpu.sem_alloc : memref<!tpu.dma_semaphore, #tpu.memory_space<semaphore_mem>>
        %dma_start3A_47 = arith.constant 0 : i32
        %dma_start3A_48 = tpu.memref_slice %arg9[%multiple_of3A, %dma_start3A_47] : memref<10000x128xf32, #tpu.memory_space<hbm>> -> memref<624x128xf32, #tpu.memory_space<hbm>>
        %dma_start3A_49 = arith.constant 0 : i32
        %dma_start3A_50 = tpu.memref_slice %arg15[%multiple_of3A, %dma_start3A_49] : memref<10000x128xf32, #tpu.memory_space<vmem_shared>> -> memref<624x128xf32, #tpu.memory_space<vmem_shared>>
        tpu.enqueue_dma source(%dma_start3A_50 : memref<624x128xf32, #tpu.memory_space<vmem_shared>>) target(%dma_start3A_48 : memref<624x128xf32, #tpu.memory_space<hbm>>) target_semaphore(%run_scoped3A : memref<!tpu.dma_semaphore, #tpu.memory_space<semaphore_mem>>)
        %dma_wait3A_51 = arith.constant 0 : i32
        %dma_wait3A_52 = tpu.memref_slice %arg9[%multiple_of3A, %dma_wait3A_51] : memref<10000x128xf32, #tpu.memory_space<hbm>> -> memref<624x128xf32, #tpu.memory_space<hbm>>
        %dma_wait3A_53 = arith.constant 0 : i32
        %dma_wait3A_54 = tpu.memref_slice %arg15[%multiple_of3A, %dma_wait3A_53] : memref<10000x128xf32, #tpu.memory_space<vmem_shared>> -> memref<624x128xf32, #tpu.memory_space<vmem_shared>>
        tpu.wait_dma2 semaphore(%run_scoped3A : memref<!tpu.dma_semaphore, #tpu.memory_space<semaphore_mem>>) src(%dma_wait3A_54 : memref<624x128xf32, #tpu.memory_space<vmem_shared>>) dst(%dma_wait3A_52 : memref<624x128xf32, #tpu.memory_space<hbm>>)
        tpu.yield
      }) : () -> ()
      %eq3A_42 = arith.constant 15 : i32
      %eq3A_43 = arith.cmpi eq, %arg1, %eq3A_42 : i32
      %convert_element_type3A_44 = arith.extui %eq3A_43 : i1 to i32
      %cond3A_45 = arith.constant 0 : i32
      %cond3A_46 = arith.cmpi ne, %convert_element_type3A_44, %cond3A_45 : i32
      scf.if %cond3A_46 {
        "tpu.region"() ({
          %run_scoped3A = tpu.sem_alloc : memref<!tpu.dma_semaphore, #tpu.memory_space<semaphore_mem>>
          %dma_start3A_47 = arith.constant 9984 : i32
          %dma_start3A_48 = arith.constant 0 : i32
          %dma_start3A_49 = tpu.memref_slice %arg9[%dma_start3A_47, %dma_start3A_48] : memref<10000x128xf32, #tpu.memory_space<hbm>> -> memref<16x128xf32, #tpu.memory_space<hbm>>
          %dma_start3A_50 = arith.constant 9984 : i32
          %dma_start3A_51 = arith.constant 0 : i32
          %dma_start3A_52 = tpu.memref_slice %arg15[%dma_start3A_50, %dma_start3A_51] : memref<10000x128xf32, #tpu.memory_space<vmem_shared>> -> memref<16x128xf32, #tpu.memory_space<vmem_shared>>
          tpu.enqueue_dma source(%dma_start3A_52 : memref<16x128xf32, #tpu.memory_space<vmem_shared>>) target(%dma_start3A_49 : memref<16x128xf32, #tpu.memory_space<hbm>>) target_semaphore(%run_scoped3A : memref<!tpu.dma_semaphore, #tpu.memory_space<semaphore_mem>>)
          %dma_wait3A_53 = arith.constant 9984 : i32
          %dma_wait3A_54 = arith.constant 0 : i32
          %dma_wait3A_55 = tpu.memref_slice %arg9[%dma_wait3A_53, %dma_wait3A_54] : memref<10000x128xf32, #tpu.memory_space<hbm>> -> memref<16x128xf32, #tpu.memory_space<hbm>>
          %dma_wait3A_56 = arith.constant 9984 : i32
          %dma_wait3A_57 = arith.constant 0 : i32
          %dma_wait3A_58 = tpu.memref_slice %arg15[%dma_wait3A_56, %dma_wait3A_57] : memref<10000x128xf32, #tpu.memory_space<vmem_shared>> -> memref<16x128xf32, #tpu.memory_space<vmem_shared>>
          tpu.wait_dma2 semaphore(%run_scoped3A : memref<!tpu.dma_semaphore, #tpu.memory_space<semaphore_mem>>) src(%dma_wait3A_58 : memref<16x128xf32, #tpu.memory_space<vmem_shared>>) dst(%dma_wait3A_55 : memref<16x128xf32, #tpu.memory_space<hbm>>)
          tpu.yield
        }) : () -> ()
      } else {
      }
    } else {
    }
    return
  }
}

module attributes {stable_mosaic.version = 14 : i64} {
  func.func @mm_body(%arg0: i32, %arg1: memref<1000x256xf32, #tpu.memory_space<vmem>>, %arg2: memref<256x256xf32, #tpu.memory_space<vmem>>, %arg3: memref<1000x128xf32, #tpu.memory_space<vmem>>, %arg4: memref<1000x128xf32, #tpu.memory_space<vmem>>) attributes {dimension_semantics = [#tpu.dimension_semantics<arbitrary>], iteration_bounds = array<i64: 10>, scalar_prefetch = 0 : i64, scratch_operands = 0 : i64, tpu.core_type = #tpu.core_type<tc>, window_params = [{transform_indices = @transform_0, window_bounds = array<i64: 1000, 256>}, {pipeline_mode = #tpu.pipeline_mode<synchronous>, transform_indices = @transform_1, window_bounds = array<i64: 256, 256>}, {transform_indices = @transform_2, window_bounds = array<i64: 1000, 128>}, {transform_indices = @transform_3, window_bounds = array<i64: 1000, 128>}]} {
    %get3A = arith.constant 0 : index
    %get3A_0 = arith.constant 0 : index
    %get3A_1 = vector.load %arg1[%get3A, %get3A_0] : memref<1000x256xf32, #tpu.memory_space<vmem>>, vector<1000x256xf32>
    %get3A_2 = arith.constant 0 : index
    %get3A_3 = arith.constant 0 : index
    %get3A_4 = vector.load %arg2[%get3A_2, %get3A_3] : memref<256x256xf32, #tpu.memory_space<vmem>>, vector<256x256xf32>
    %dot_general3A = arith.constant dense<0.000000e+00> : vector<1000x256xf32>
    %dot_general3A_5 = tpu.matmul %get3A_1, %get3A_4, %dot_general3A {dimension_numbers = #tpu.dot_dimension_numbers<[1], [0], [0], [1], [0, 0, 1, 1], [], []>, transpose_lhs_hint = false} : vector<1000x256xf32>, vector<256x256xf32>, vector<1000x256xf32> -> vector<1000x256xf32>
    %slice3A = vector.extract_strided_slice %dot_general3A_5 {offsets = [0, 0], sizes = [1000, 128], strides = [1, 1]} : vector<1000x256xf32> to vector<1000x128xf32>
    %swap3A = arith.constant 0 : index
    %swap3A_6 = arith.constant 0 : index
    %swap3A_7 = vector.load %arg3[%swap3A, %swap3A_6] : memref<1000x128xf32, #tpu.memory_space<vmem>>, vector<1000x128xf32>
    tpu.vector_store %arg3[%swap3A, %swap3A_6], %slice3A {strides = array<i32>} : memref<1000x128xf32, #tpu.memory_space<vmem>>, vector<1000x128xf32>,
    %slice3A_8 = vector.extract_strided_slice %dot_general3A_5 {offsets = [0, 128], sizes = [1000, 128], strides = [1, 1]} : vector<1000x256xf32> to vector<1000x128xf32>
    %swap3A_9 = arith.constant 0 : index
    %swap3A_10 = arith.constant 0 : index
    %swap3A_11 = vector.load %arg4[%swap3A_9, %swap3A_10] : memref<1000x128xf32, #tpu.memory_space<vmem>>, vector<1000x128xf32>
    tpu.vector_store %arg4[%swap3A_9, %swap3A_10], %slice3A_8 {strides = array<i32>} : memref<1000x128xf32, #tpu.memory_space<vmem>>, vector<1000x128xf32>,
    return
  }
  func.func @transform_0(%arg0: i32) -> (i32, i32) {
    %c0_i32 = arith.constant 0 : i32
    %c0_i32_0 = arith.constant 0 : i32
    return %arg0, %c0_i32 : i32, i32
  }
  func.func @transform_1(%arg0: i32) -> (i32, i32) {
    %c0_i32 = arith.constant 0 : i32
    %c0_i32_0 = arith.constant 0 : i32
    %c0_i32_1 = arith.constant 0 : i32
    return %c0_i32, %c0_i32_0 : i32, i32
  }
  func.func @transform_2(%arg0: i32) -> (i32, i32) {
    %c0_i32 = arith.constant 0 : i32
    %c0_i32_0 = arith.constant 0 : i32
    return %arg0, %c0_i32 : i32, i32
  }
  func.func @transform_3(%arg0: i32) -> (i32, i32) {
    %c0_i32 = arith.constant 0 : i32
    %c0_i32_0 = arith.constant 0 : i32
    return %arg0, %c0_i32 : i32, i32
  }
}

</mosaic_0001>

<sc_bundles>
// kernel: kernel.4.cloned.1.call-start
scs
__scs_entry_jumppad:
0x0: {  	(pc) =	sbr.rel $0x88, $3  }
0x1: {  	(tag) =	ssettag $0x0;
	lr =	simm.s32 $0x1  }
0x2: {  	[smem:$0x3F9D] =	sst lr;
	_ =	strace $0xD0000000  }
0x3: {  	_ = 	snop  }
0x4: {  	_ = 	snop  }
0x5: {  	_ = 	snop  }
0x6: {  	_ = 	snop  }
0x7: {  	_ = 	snop  }
__scs_overlays_trampoline_lowered:
0x8: {  	[smem:$0x3FAC] =	sst s0  }
0x9: {  	[smem:$0x3FAD] =	sst s1  }
0xa: {  	[smem:$0x3FAE] =	sst s2  }
0xb: {  	[smem:$0x3FAF] =	sst s3  }
0xc: {  	[smem:$0x3FB0] =	sst s4  }
0xd: {  	[smem:$0x3FB1] =	sst s5  }
0xe: {  	[smem:$0x3FB2] =	sst s6  }
0xf: {  	[smem:$0x3FB3] =	sst s7  }
0x10: {  	[smem:$0x3FB4] =	sst s8  }
0x11: {  	[smem:$0x3FB5] =	sst s9;
	s0 =	simm.s32 @!p0 $0x0  }
0x12: {  	s1 =	sld [smem:$0x3F9B];
	s0 =	simm.s32 @p0 $0x1  }
0x13: {  	[smem:$0x3FB6] =	sst s0;
	s0 =	simm.s32 @!p1 $0x0  }
0x14: {  	s2 =	sld [smem:$0x3F9A];
	s0 =	simm.s32 @p1 $0x1  }
0x15: {  	[smem:$0x3FB7] =	sst s0;
	s0 =	simm.s32 @!p2 $0x0  }
0x16: {  	s3 =	sld [smem:$0x3FDB];
	s0 =	simm.s32 @p2 $0x1  }
0x17: {  	s4 =	simm.s32 $0x1BF5;
	[smem:$0x3FB9] =	sst s0  }
0x18: {  	s0 =	sld [smem:$0x3F9C];
	_ =	swait.ge [sflag:s4], $0x0  }
0x19: {  	s7 =	sld [smem:$0x3F9D]  }
0x1a: {  	s8 =	sadd.s32 $0xFFFFE003, lr  }
0x1b: {  	s9 =	sadd.s32 $0xFFFFFEF7, lr;
	s5 =	simm.s32 $0xFFFFFFFF;
	p2 =	slt.u32 s8, $0xFFFFF086  }
0x1c: {  	p1 =	slt.u32 s9, $0xF7A;
	s5 =	simm.s32 @!p2 $0x0  }
0x1d: {  	s5 =	simm.s32 @p1 $0x1;
	p0 =	seq.s32 s7, s2  }
0x1e: {  	s7 =	smul.u32 @!p0 $0xF7A, s2;
	p2 =	seq.s32 @!p0 s5, $0x0  }
0x1f: {  	s9 =	smul.u32 $0xF7A, s1;
	s8 =	simm.s32 @!p0 $0x1BF5;
	p2 =	por !p2, p0  }
0x20: {  	[sflag:s8] =	ssyncset.s32 @!p0 $0xFFFFF086;
	s6 =	sadd.s32 @!p0 s3, s7;
	s7 =	simm.s32 @!p0 $0x108  }
0x21: {  	s3 =	sadd.s32 s3, s9;
	s6 =	sadd.s32 @!p0 $0x88, s6;
	s7 =	simm.s32 @p2 $0x1082  }
0x22: {  	[simem:s7], [sflag:s8] =	dma.local @!p0 [hbm:s6], $0xF7A  }
0x23: {  	s9 =	sor.u32 $0xD0000000, s2;
	s6 =	simm.s32 $0x108;
	_ =	swait.ge @!p0 [sflag:s8], $0x0  }
0x24: {  	s3 =	sadd.s32 $0x88, s3;
	s6 =	simm.s32 @!p1 $0x1082;
	[sflag:s4] =	ssyncset.s32 $0xFFFFF086  }
0x25: {  	[simem:s6], [sflag:s4] =	dma.local [hbm:s3], $0xF7A  }
0x26: {  	[smem:$0x3F9D] =	sst s1;
	(tag) =	ssettag s2;
	_ =	strace s9  }
0x27: {  	s1 =	sld [smem:$0x3FAD]  }
0x28: {  	s2 =	sld [smem:$0x3FAE]  }
0x29: {  	s4 =	sld [smem:$0x3FB0]  }
0x2a: {  	p0 =	seq.s32 s5, $0x0;
	s5 =	sld [smem:$0x3FB1]  }
0x2b: {  	s6 =	sld [smem:$0x3FB2]  }
0x2c: {  	s7 =	sld [smem:$0x3FB3]  }
0x2d: {  	s3 =	simm.s32 $0x108;
	s8 =	sld [smem:$0x3FB4]  }
0x2e: {  	s3 =	simm.s32 @!p0 $0x1082;
	s9 =	sld [smem:$0x3FB5]  }
0x2f: {  	lr =	sadd.s32 s0, s3;
	s0 =	sld [smem:$0x3FAC]  }
0x30: {  	s3 =	sld [smem:$0x3FAF]  }
0x31: {  	[smem:$0x3FB8] =	sst s10  }
0x32: {  	s10 =	sld [smem:$0x3FB6];
	_ =	sdelay $0x3  }
0x33: {  	p0 =	seq.s32 s10, $0x1;
	s10 =	sld [smem:$0x3FB8];
	_ =	sdelay $0x3  }
0x34: {  	[smem:$0x3FB8] =	sst s10  }
0x35: {  	s10 =	sld [smem:$0x3FB7];
	_ =	sdelay $0x3  }
0x36: {  	p1 =	seq.s32 s10, $0x1;
	s10 =	sld [smem:$0x3FB8];
	_ =	sdelay $0x3  }
0x37: {  	[smem:$0x3FB8] =	sst s10  }
0x38: {  	s10 =	sld [smem:$0x3FB9]  }
0x39: {  	_ = 	snop;
	(pc) =	sbr.ind lr, $3  }
0x3a: {  	_ = 	snop  }
0x3b: {  	_ = 	snop  }
0x3c: {  	p2 =	seq.s32 s10, $0x1;
	s10 =	sld [smem:$0x3FB8]  }
0x3d: {  	_ =	shalt  }
0x3e: {  	_ =	shalt  }
0x3f: {  	_ =	shalt  }
0x40: {  	_ =	shalt  }
0x41: {  	_ =	shalt  }
0x42: {  	_ =	shalt  }
0x43: {  	_ =	shalt  }
0x44: {  	_ =	shalt  }
0x45: {  	_ =	shalt  }
0x46: {  	_ =	shalt  }
0x47: {  	_ =	shalt  }
0x48: {  	_ =	shalt  }
0x49: {  	_ =	shalt  }
0x4a: {  	_ =	shalt  }
0x4b: {  	_ =	shalt  }
0x4c: {  	_ =	shalt  }
0x4d: {  	_ =	shalt  }
0x4e: {  	_ =	shalt  }
0x4f: {  	_ =	shalt  }
0x50: {  	_ =	shalt  }
0x51: {  	_ =	shalt  }
0x52: {  	_ =	shalt  }
0x53: {  	_ =	shalt  }
0x54: {  	_ =	shalt  }
0x55: {  	_ =	shalt  }
0x56: {  	_ =	shalt  }
0x57: {  	_ =	shalt  }
0x58: {  	_ =	shalt  }
0x59: {  	_ =	shalt  }
0x5a: {  	_ =	shalt  }
0x5b: {  	_ =	shalt  }
0x5c: {  	_ =	shalt  }
0x5d: {  	_ =	shalt  }
0x5e: {  	_ =	shalt  }
0x5f: {  	_ =	shalt  }
0x60: {  	_ =	shalt  }
0x61: {  	_ =	shalt  }
0x62: {  	_ =	shalt  }
0x63: {  	_ =	shalt  }
0x64: {  	_ =	shalt  }
0x65: {  	_ =	shalt  }
0x66: {  	_ =	shalt  }
0x67: {  	_ =	shalt  }
0x68: {  	_ =	shalt  }
0x69: {  	_ =	shalt  }
0x6a: {  	_ =	shalt  }
0x6b: {  	_ =	shalt  }
0x6c: {  	_ =	shalt  }
0x6d: {  	_ =	shalt  }
0x6e: {  	_ =	shalt  }
0x6f: {  	_ =	shalt  }
0x70: {  	_ =	shalt  }
0x71: {  	_ =	shalt  }
0x72: {  	_ =	shalt  }
0x73: {  	_ =	shalt  }
0x74: {  	_ =	shalt  }
0x75: {  	_ =	shalt  }
0x76: {  	_ =	shalt  }
0x77: {  	_ =	shalt  }
0x78: {  	_ =	shalt  }
0x79: {  	_ =	shalt  }
0x7a: {  	_ =	shalt  }
0x7b: {  	_ =	shalt  }
0x7c: {  	_ =	shalt  }
0x7d: {  	_ =	shalt  }
0x7e: {  	_ =	shalt  }
0x7f: {  	_ =	shalt  }
0x80: {  	_ =	shalt  }
0x81: {  	_ =	shalt  }
0x82: {  	_ =	shalt  }
0x83: {  	_ =	shalt  }
0x84: {  	_ =	shalt  }
0x85: {  	_ =	shalt  }
0x86: {  	_ =	shalt  }
0x87: {  	_ =	shalt  }
.Lfunc_end0:
.L_simem_size_0:
called_computation_lowered:
.L_overlay_start_0:
0x88: {  	s2 =	sld [smem:$0x3FD9]  }
0x89: {  	s3 =	sld [smem:$0x3FFE];
	_ =	sdelay $0x1  }
0x8a: {  	s1 =	srdreg.scid  }
0x8b: {  	s0 =	sand.u32 $0x1, s1  }
0x8c: {  	s17 =	sshll.u32 s0, $0xA;
	s2 =	sadd.s32 s3, s2  }
0x8d: {  	s2 =	sadd.s32 s2, s17  }
0x8e: {  	[smem:$0x3FC4] =	sst s2  }
0x8f: {  	_ = 	snop  }
0x90: {  	s2 =	sld [smem:$0x3FD0];
	(tm) =	ssettm $0x1  }
0x91: {  	s18 =	sld [smem:$0x3FFB];
	_ =	sdelay $0x3  }
0x92: {  	_ =	strace s18  }
0x93: {  	s3 =	sld [smem:$0x3FFC];
	_ =	sdelay $0x3  }
0x94: {  	_ =	strace s3  }
0x95: {  	s3 =	sld [smem:$0x3FFD];
	_ =	sdelay $0x3  }
0x96: {  	_ =	strace s3  }
0x97: {  	_ =	strace $0x8FFFFFFF  }
0x98: {  	s19 =	sld [smem:$0x3FDB];
	_ =	sdelay $0x1  }
0x99: {  	s4 =	simm.s32 $_scs_section_size  }
0x9a: {  	s5 =	simm.s32 $_size__tile_overlayer_lowered;
	s6 =	simm.s32 $_tile_overlayer_lowered  }
0x9b: {  	s22 =	simm.s32 $0x1BFF;
	s21 =	sshll.u32 s6, $0x1;
	s3 =	sadd.s32 s4, s19  }
0x9c: {  	s7 =	simm.s32 $0x0;
	s20 =	sshll.u32 s5, $0x1;
	s5 =	sadd.s32 s21, s3  }
0x9d: {  	[timem:s7], [sflag:s22] =	dma.local [hbm:s5], s20  }
0x9e: {  	_ =	swait.ge [sflag:s22], s20  }
0x9f: {  	s4 =	ssub.s32 $0x0, s20;
	[sflag:s22] =	ssyncset.done $0x0  }
0xa0: {  	[sflag:s22] =	ssyncadd.s32 s4;
	_ =	sdelay $0x1  }
0xa1: {  	s23 =	simm.s32 $0x1B8B  }
0xa2: {  	_ =	swait.ge [sflag:s23], $0x1  }
0xa3: {  	[sflag:s23] =	ssyncset.done $0x0  }
0xa4: {  	s25 =	simm.s32 $0x1B8E;
	s24 =	sld [smem:$0x3FFE];
	[sflag:s23] =	ssyncadd.s32 $0xFFFFFFFF  }
0xa5: {  	s26 =	simm.s32 $execute0_lowered;
	[smem:$0x3FD2] =	sst s25  }
0xa6: {  	s5 =	sshll.u32 s26, $0x1;
	_ =	strace $0x80000046;
	[dreg:$0x1] =	wrdreg $0xFFFFFFFF  }
0xa7: {  	s28 =	simm.s32 $_size_execute0_lowered;
	s3 =	sadd.s32 s3, s5;
	[dreg:$0x0] =	wrdreg $0x0  }
0xa8: {  	s5 =	sshll.u32 s28, $0x1;
	[dreg:$0x2] =	wrdreg s3  }
0xa9: {  	[dreg:$0x3] =	wrdreg s5  }
0xaa: {  	[dreg:$0x4] =	wrdreg $0xC0  }
0xab: {  	_ =	task [dreg:s7], $0x5FFFF  }
0xac: {  	[dreg:$0x1] =	wrdreg $0xFFFFFFFF  }
0xad: {  	[dreg:$0x0] =	wrdreg $0x60  }
0xae: {  	[dreg:$0x2] =	wrdreg s2  }
0xaf: {  	[dreg:$0x3] =	wrdreg s24  }
0xb0: {  	[dreg:$0x4] =	wrdreg $0x91000  }
0xb1: {  	[dreg:$0x5] =	wrdreg $0x9  }
0xb2: {  	_ =	task.clear_ibuf [dreg:s7], $0x6FFFF;
	_ =	strace $0x90000046  }
0xb3: {  	s29 =	simm.s32 $0x9;
	_ =	strace $0x80000048  }
0xb4: {  	_ =	swait.ge [sflag:s29], $0x1  }
0xb5: {  	[sflag:s29] =	ssyncadd.s32 $0xFFFFFFFF  }
0xb6: {  	_ =	strace $0x90000048  }
0xb7: {  	_ =	sfence  }
0xb8: {  	s30 =	sld [smem:$0x0];
	_ =	sdelay $0x2  }
0xb9: {  	s31 =	sshll.u32 s1, $0xD;
	s1 =	sshrl.u32 s1, $0x2  }
0xba: {  	s3 =	sand.u32 $0x4000, s31;
	s1 =	sadd.s32 s1, s30  }
0xbb: {  	s0 =	sor.u32 s3, s0;
	s1 =	sshll.u32 s1, $0x11  }
0xbc: {  	s0 =	sor.u32 s1, s0  }
0xbd: {  	s0 =	sadd.s32 $0x8F2B, s0  }
0xbe: {  	[sflag:s0] =	ssyncadd.remote.s32 $0x1  }
0xbf: {  	_ =	sfence.sel $0xFFFF  }
0xc0: {  	[dreg:$0x0] =	wrdreg $0xFFFFFFFF;
	(pc) =	sbr.abs _section_cstart, $3  }
0xc1: {  	[dreg:$0x1] =	wrdreg $0xFFFFFFFF  }
0xc2: {  	_ =	task.clear_ibuf [dreg:s7], $0x2FFFF;
	_ =	strace $0x9FFFFFFF  }
0xc3: {  	(tm) =	ssettm $0x7FFFFFFF  }
tec
execute0_lowered:
.L_overlay_start_1:
0x0: {  	(tag) =	ssettag $0x1  }
0x1: {  	s1 =	rddreg [dreg:$0x0]  }
0x2: {  	s0 =	rddreg [dreg:$0x1]  }
0x3: {  	s3 =	rddreg [dreg:$0x2]  }
0x4: {  	s4 =	simm.s32 $0x0;
	s8 =	stileid.u32;
	s7 =	srdreg.scid  }
0x5: {  	s28 =	simm.s32 $0x3;
	s29 =	simm.s32 $0x2;
	s30 =	simm.s32 $0x4  }
0x6: {  	s31 =	simm.s32 $0x0;
	[smem:$0x7FF] =	sst s4;
	s2 =	sshll.u32 s8, $0xB  }
0x7: {  	s5 =	sadd.s32 $0xDC00, s0;
	s16 =	sadd.s32 $0xC00, s0;
	s12 =	smul.u32 $0x4E000, s8  }
0x8: {  	s6 =	sadd.s32 $0x37600, s0;
	s10 =	sand.u32 $0x1, s7;
	s21 =	smul.u32 $0x2710, s8  }
0x9: {  	s7 =	sadd.s32 $0x34E00, s0;
	s13 =	sadd.s32 $0x39E00, s0;
	s14 =	smul.u32 $0x2700, s8  }
0xa: {  	s9 =	sadd.s32 $0x61000, s0;
	s17 =	smul.u32 $0x4E2, s8;
	s26 =	sshll.u32 s8, $0x6  }
0xb: {  	p1 =	sne.s32 s8, $0xF;
	p2 =	seq.s32 s8, $0xF;
	_ =	strace $0x80000047  }
0xc: {  	s2 =	sadd.s32 s2, s0;
	s11 =	ssub.s32 $0x2, s10;
	p0 =	seq.s32 s10, $0x1  }
0xd: {  	[dreg:$0x4] =	wrdreg s13;
	s18 =	sor.u32 $0x1C05, s26;
	s26 =	simm.s32 $0x1  }
0xe: {  	s20 =	sshrl.u32 s11, $0x1;
	s10 =	sadd.s32 $0x5C00, s2;
	s22 =	sshrl.u32 s12, $0x2  }
0xf: {  	s23 =	sshrl.u32 s21, $0x3;
	s13 =	sadd.s32 s13, s14;
	s24 =	sadd.s32 s9, s14  }
0x10: {  	s25 =	sadd.s32 s17, s16;
	s17 =	simm.s32 $0x5;
	s21 =	simm.s32 $0x4000  }
.Ltmp0:
0x11: {  	s0 =	ssub.s32 s11, s20;
	s2 =	sadd.s32 s22, s3;
	(pc) =	sbr.rel .LBB2_1-.Ltmp0, $4  }
0x12: {  	s11 =	sadd.s32 $0x138000, s3;
	s12 =	sadd.s32 s16, s23;
	[dreg:$0x5] =	wrdreg s13  }
0x13: {  	[dreg:$0x6] =	wrdreg s24;
	s16 =	sadd.s32 $0xA, s25;
	s22 =	simm.s32 $0x50  }
0x14: {  	s23 =	simm.s32 $0x4100;
	s24 =	simm.s32 $0x4080;
	s25 =	simm.s32 $0x6900  }
0x15: {  	s15 =	smax.u32 s0, $0x1;
	s19 =	sshrl.u32 s2, $0x3;
	s20 =	sshrl.u32 @!p1 s11, $0x3  }
.LBB2_8:
0x16: {  	s0 =	sadd.s32 $0x27000, s0;
	s2 =	sshrl.u32 s11, $0x3  }
0x17: {  	[hbm:s0], [sflag:s18] =	dma.local [spmem:s2], $0x100  }
0x18: {  	_ =	swait.ge [sflag:s17], $0x100  }
0x19: {  	[sflag:s17] =	ssyncset.done $0x0  }
0x1a: {  	[sflag:s17] =	ssyncadd.s32 $0xFFFFFF00  }
.LBB2_9:
0x1b: {  	s31 =	sadd.s32 $0x1, s31  }
0x1c: {  	p3 =	sne.s32 s31, s15  }
.Ltmp1:
0x1d: {  	_ = 	snop;
	(pc) =	sbr.rel @!p3 .LBB2_10-.Ltmp1, $1  }
0x1e: {  	_ =	sdelay $0x3  }
.LBB2_1:
.Ltmp2:
0x1f: {  	(pc) =	sbr.rel @!p0 .LBB2_2-.Ltmp2, $4  }
0x20: {  	[tilespmem:s4], [sflag:$0x5] =	stream.linear.gather [hbm4b:s10+s4], $0x3E80, $0x38;
	[tilespmem:$0x1C980] =	vst v63  }
0x21: {  	_ =	swait.ge [sflag:s17], $0x3E80  }
0x22: {  	[sflag:s17] =	ssyncset.done $0x0  }
0x23: {  	[sflag:s17] =	ssyncadd.s32 $0xFFFFC180  }
0x24: {  	[spmem:s19], [sflag:s18] =	dma.local [hbm:s7], $0x2700  }
0x25: {  	_ =	swait.ge [sflag:s17], $0x2700  }
0x26: {  	[sflag:s17] =	ssyncset.done $0x0  }
0x27: {  	s0 =	simm.s32 @!p1 $0x5;
	[sflag:s17] =	ssyncadd.s32 $0xFFFFD900  }
0x28: {  	[spmem:s20], [sflag:s18] =	dma.local @!p1 [hbm:s7], $0x100  }
0x29: {  	_ =	swait.ge @!p1 [sflag:s0], $0x100  }
0x2a: {  	[sflag:s0] =	ssyncset.done @!p1 $0x0  }
0x2b: {  	[sflag:s0] =	ssyncadd.s32 @!p1 $0xFFFFFF00  }
0x2c: {  	[bflag:$0x0] =	sbarrier.arrive $0xFFFF  }
0x2d: {  	[tilespmem:s21], [sflag:$0x3] =	stream.linear.gather [hbm4b:s12+s4], $0x50, $0x38;
	[tilespmem:$0x1C980] =	vst v63  }
0x2e: {  	_ = 	snop  }
0x2f: {  	[tilespmem:s23], [sflag:$0x1] =	stream.indirect.gather [hbm4b:s5+s22], $0x80, s4, s22, $0xb8;
	[tilespmem:$0x1C980] =	vst v63  }
0x30: {  	_ = 	snop  }
0x31: {  	[tilespmem:s24], [sflag:$0x4] =	stream.linear.gather [hbm4b:s16+s4], $0x50, $0x38;
	[tilespmem:$0x1C980] =	vst v63  }
0x32: {  	s8 =	simm.s32 $0x80  }
0x33: {  	[tilespmem:s25], [sflag:$0x2] =	stream.indirect.gather [hbm4b:s5+s22], $0x80, s8, s22, $0xb8;
	[tilespmem:$0x1C980] =	vst v63  }
0x34: {  	_ =	swait.ge [sflag:s26], $0x2800  }
0x35: {  	[sflag:s26] =	ssyncset.done $0x0  }
0x36: {  	[sflag:s26] =	ssyncadd.s32 $0xFFFFD800  }
0x37: {  	_ =	swait.ge [sflag:s28], $0x50  }
0x38: {  	[sflag:s28] =	ssyncset.done $0x0  }
0x39: {  	[sflag:s28] =	ssyncadd.s32 $0xFFFFFFB0  }
0x3a: {  	[spmem:s3] =	stream.indirect.scatter.add.f32 [tilespmem:s23], [sflag:$0x5], $0x80, s21, s22, $0xb8;
	[tilespmem:$0x1C980] =	vst v63  }
0x3b: {  	_ =	swait.ge [sflag:s17], $0x2800  }
0x3c: {  	[sflag:s17] =	ssyncset.done $0x0  }
0x3d: {  	s13 =	sadd.s32 $0xA, s16;
	[sflag:s17] =	ssyncadd.s32 $0xFFFFD800  }
0x3e: {  	[tilespmem:s21], [sflag:$0x3] =	stream.linear.gather [hbm4b:s13+s4], $0x50, $0x38;
	[tilespmem:$0x1C980] =	vst v63  }
0x3f: {  	s14 =	simm.s32 $0x100  }
0x40: {  	[tilespmem:s23], [sflag:$0x1] =	stream.indirect.gather [hbm4b:s5+s22], $0x80, s14, s22, $0xb8;
	[tilespmem:$0x1C980] =	vst v63  }
0x41: {  	_ =	swait.ge [sflag:s29], $0x2800  }
0x42: {  	[sflag:s29] =	ssyncset.done $0x0  }
0x43: {  	[sflag:s29] =	ssyncadd.s32 $0xFFFFD800  }
0x44: {  	_ =	swait.ge [sflag:s30], $0x50  }
0x45: {  	[sflag:s30] =	ssyncset.done $0x0  }
0x46: {  	[sflag:s30] =	ssyncadd.s32 $0xFFFFFFB0  }
0x47: {  	[spmem:s3] =	stream.indirect.scatter.add.f32 [tilespmem:s25], [sflag:$0x5], $0x80, s24, s22, $0xb8;
	[tilespmem:$0x1C980] =	vst v63  }
0x48: {  	_ =	swait.ge [sflag:s17], $0x2800  }
0x49: {  	s2 =	simm.s32 $0xFFFF0C00;
	s0 =	sadd.s32 $0x14, s16;
	[sflag:s17] =	ssyncset.done $0x0  }
.LBB2_6:
0x4a: {  	s13 =	smov.u32 s2  }
0x4b: {  	s8 =	sshra.s32 s2, $0x2;
	[sflag:s17] =	ssyncadd.s32 $0xFFFFD800;
	s13 =	sadd.s32 $0x400, s2  }
0x4c: {  	[tilespmem:s24], [sflag:$0x4] =	stream.linear.gather [hbm4b:s0+s4], $0x50, $0x38;
	[tilespmem:$0x1C980] =	vst v63  }
0x4d: {  	p3 =	sne.s32 s2, $0xFFFFFC00;
	s14 =	sadd.s32 $0x3E80, s8  }
0x4e: {  	[tilespmem:s25], [sflag:$0x2] =	stream.indirect.gather [hbm4b:s5+s22], $0x80, s14, s22, $0xb8;
	[tilespmem:$0x1C980] =	vst v63  }
0x4f: {  	_ =	swait.ge [sflag:s26], $0x2800  }
0x50: {  	[sflag:s26] =	ssyncset.done $0x0  }
0x51: {  	[sflag:s26] =	ssyncadd.s32 $0xFFFFD800  }
0x52: {  	_ =	swait.ge [sflag:s28], $0x50  }
0x53: {  	[sflag:s28] =	ssyncset.done $0x0  }
0x54: {  	[sflag:s28] =	ssyncadd.s32 $0xFFFFFFB0  }
0x55: {  	[spmem:s3] =	stream.indirect.scatter.add.f32 [tilespmem:s23], [sflag:$0x5], $0x80, s21, s22, $0xb8;
	[tilespmem:$0x1C980] =	vst v63  }
0x56: {  	_ =	swait.ge [sflag:s17], $0x2800  }
0x57: {  	[sflag:s17] =	ssyncset.done $0x0  }
0x58: {  	s2 =	sadd.s32 $0xA, s0;
	[sflag:s17] =	ssyncadd.s32 $0xFFFFD800  }
0x59: {  	[tilespmem:s21], [sflag:$0x3] =	stream.linear.gather [hbm4b:s2+s4], $0x50, $0x38;
	[tilespmem:$0x1C980] =	vst v63  }
0x5a: {  	s2 =	sadd.s32 $0x3F00, s8  }
0x5b: {  	[tilespmem:s23], [sflag:$0x1] =	stream.indirect.gather [hbm4b:s5+s22], $0x80, s2, s22, $0xb8;
	[tilespmem:$0x1C980] =	vst v63  }
0x5c: {  	_ =	swait.ge [sflag:s29], $0x2800  }
0x5d: {  	[sflag:s29] =	ssyncset.done $0x0  }
0x5e: {  	[sflag:s29] =	ssyncadd.s32 $0xFFFFD800  }
0x5f: {  	_ =	swait.ge [sflag:s30], $0x50  }
.Ltmp3:
0x60: {  	[sflag:s30] =	ssyncset.done $0x0;
	(pc) =	sbr.rel @p3 .LBB2_6-.Ltmp3, $4  }
0x61: {  	[sflag:s30] =	ssyncadd.s32 $0xFFFFFFB0  }
0x62: {  	[spmem:s3] =	stream.indirect.scatter.add.f32 [tilespmem:s25], [sflag:$0x5], $0x80, s24, s22, $0xb8;
	[tilespmem:$0x1C980] =	vst v63  }
0x63: {  	_ =	swait.ge [sflag:s17], $0x2800  }
0x64: {  	s0 =	sadd.s32 $0x14, s0;
	s2 =	smov.u32 s13;
	[sflag:s17] =	ssyncset.done $0x0  }
0x65: {  	[sflag:s17] =	ssyncadd.s32 $0xFFFFD800  }
0x66: {  	_ =	swait.ge [sflag:s26], $0x2800  }
0x67: {  	[sflag:s26] =	ssyncset.done $0x0  }
0x68: {  	[sflag:s26] =	ssyncadd.s32 $0xFFFFD800  }
0x69: {  	_ =	swait.ge [sflag:s28], $0x50  }
0x6a: {  	[sflag:s28] =	ssyncset.done $0x0  }
0x6b: {  	[sflag:s28] =	ssyncadd.s32 $0xFFFFFFB0  }
0x6c: {  	[spmem:s3] =	stream.indirect.scatter.add.f32 [tilespmem:s23], [sflag:$0x5], $0x80, s21, s22, $0xb8;
	[tilespmem:$0x1C980] =	vst v63  }
0x6d: {  	_ =	swait.ge [sflag:s17], $0x2800  }
0x6e: {  	[sflag:s17] =	ssyncset.done $0x0  }
0x6f: {  	[sflag:s17] =	ssyncadd.s32 $0xFFFFD800  }
0x70: {  	[bflag:$0x0] =	sbarrier.arrive $0xFFFF  }
0x71: {  	s0 =	rddreg [dreg:$0x6]  }
0x72: {  	[hbm:s0], [sflag:s18] =	dma.local [spmem:s19], $0x2700  }
.Ltmp4:
0x73: {  	_ = 	snop;
	(pc) =	sbr.rel @p1 .LBB2_9-.Ltmp4, $4  }
.Ltmp5:
0x74: {  	_ = 	snop;
	(pc) =	sbr.rel @!p1 .LBB2_8-.Ltmp5, $4  }
0x75: {  	_ =	swait.ge [sflag:s17], $0x2700  }
0x76: {  	[sflag:s17] =	ssyncset.done $0x0  }
0x77: {  	s0 =	smov.u32 s9;
	[sflag:s17] =	ssyncadd.s32 $0xFFFFD900  }
0x78: {  	_ = 	snop  }
.LBB2_2:
0x79: {  	[spmem:s19], [sflag:s18] =	dma.local [hbm:s6], $0x2700  }
0x7a: {  	_ =	swait.ge [sflag:s17], $0x2700  }
0x7b: {  	[sflag:s17] =	ssyncset.done $0x0  }
0x7c: {  	s0 =	simm.s32 @!p1 $0x5;
	[sflag:s17] =	ssyncadd.s32 $0xFFFFD900  }
0x7d: {  	[spmem:s20], [sflag:s18] =	dma.local @!p1 [hbm:s6], $0x100  }
0x7e: {  	_ =	swait.ge @!p1 [sflag:s0], $0x100  }
0x7f: {  	[sflag:s0] =	ssyncset.done @!p1 $0x0  }
0x80: {  	[sflag:s0] =	ssyncadd.s32 @!p1 $0xFFFFFF00  }
0x81: {  	[bflag:$0x0] =	sbarrier.arrive $0xFFFF  }
0x82: {  	[tilespmem:s21], [sflag:$0x3] =	stream.linear.gather [hbm4b:s12+s4], $0x50, $0x38;
	[tilespmem:$0x1C980] =	vst v63  }
0x83: {  	_ = 	snop  }
0x84: {  	[tilespmem:s23], [sflag:$0x1] =	stream.indirect.gather [hbm4b:s1+s22], $0x80, s4, s22, $0xb8;
	[tilespmem:$0x1C980] =	vst v63  }
0x85: {  	_ = 	snop  }
0x86: {  	[tilespmem:s24], [sflag:$0x4] =	stream.linear.gather [hbm4b:s16+s4], $0x50, $0x38;
	[tilespmem:$0x1C980] =	vst v63  }
0x87: {  	s8 =	simm.s32 $0x80  }
0x88: {  	[tilespmem:s25], [sflag:$0x2] =	stream.indirect.gather [hbm4b:s1+s22], $0x80, s8, s22, $0xb8;
	[tilespmem:$0x1C980] =	vst v63  }
0x89: {  	_ =	swait.ge [sflag:s26], $0x2800  }
0x8a: {  	[sflag:s26] =	ssyncset.done $0x0  }
0x8b: {  	[sflag:s26] =	ssyncadd.s32 $0xFFFFD800  }
0x8c: {  	_ =	swait.ge [sflag:s28], $0x50  }
0x8d: {  	[sflag:s28] =	ssyncset.done $0x0  }
0x8e: {  	[sflag:s28] =	ssyncadd.s32 $0xFFFFFFB0  }
0x8f: {  	[spmem:s3] =	stream.indirect.scatter.add.f32 [tilespmem:s23], [sflag:$0x5], $0x80, s21, s22, $0xb8;
	[tilespmem:$0x1C980] =	vst v63  }
0x90: {  	_ =	swait.ge [sflag:s17], $0x2800  }
0x91: {  	[sflag:s17] =	ssyncset.done $0x0  }
0x92: {  	s13 =	sadd.s32 $0xA, s16;
	[sflag:s17] =	ssyncadd.s32 $0xFFFFD800  }
0x93: {  	[tilespmem:s21], [sflag:$0x3] =	stream.linear.gather [hbm4b:s13+s4], $0x50, $0x38;
	[tilespmem:$0x1C980] =	vst v63  }
0x94: {  	s14 =	simm.s32 $0x100  }
0x95: {  	[tilespmem:s23], [sflag:$0x1] =	stream.indirect.gather [hbm4b:s1+s22], $0x80, s14, s22, $0xb8;
	[tilespmem:$0x1C980] =	vst v63  }
0x96: {  	_ =	swait.ge [sflag:s29], $0x2800  }
0x97: {  	[sflag:s29] =	ssyncset.done $0x0  }
0x98: {  	[sflag:s29] =	ssyncadd.s32 $0xFFFFD800  }
0x99: {  	_ =	swait.ge [sflag:s30], $0x50  }
0x9a: {  	[sflag:s30] =	ssyncset.done $0x0  }
0x9b: {  	[sflag:s30] =	ssyncadd.s32 $0xFFFFFFB0  }
0x9c: {  	[spmem:s3] =	stream.indirect.scatter.add.f32 [tilespmem:s25], [sflag:$0x5], $0x80, s24, s22, $0xb8;
	[tilespmem:$0x1C980] =	vst v63  }
0x9d: {  	_ =	swait.ge [sflag:s17], $0x2800  }
0x9e: {  	s2 =	simm.s32 $0xFFFF0C00;
	s0 =	sadd.s32 $0x14, s16;
	[sflag:s17] =	ssyncset.done $0x0  }
.LBB2_3:
0x9f: {  	s14 =	smov.u32 s2  }
0xa0: {  	s13 =	sshra.s32 s2, $0x2;
	[sflag:s17] =	ssyncadd.s32 $0xFFFFD800;
	s14 =	sadd.s32 $0x400, s2  }
0xa1: {  	[tilespmem:s24], [sflag:$0x4] =	stream.linear.gather [hbm4b:s0+s4], $0x50, $0x38;
	[tilespmem:$0x1C980] =	vst v63  }
0xa2: {  	p3 =	sne.s32 s2, $0xFFFFFC00;
	s8 =	sadd.s32 $0x3E80, s13  }
0xa3: {  	[tilespmem:s25], [sflag:$0x2] =	stream.indirect.gather [hbm4b:s1+s22], $0x80, s8, s22, $0xb8;
	[tilespmem:$0x1C980] =	vst v63  }
0xa4: {  	_ =	swait.ge [sflag:s26], $0x2800  }
0xa5: {  	[sflag:s26] =	ssyncset.done $0x0  }
0xa6: {  	[sflag:s26] =	ssyncadd.s32 $0xFFFFD800  }
0xa7: {  	_ =	swait.ge [sflag:s28], $0x50  }
0xa8: {  	[sflag:s28] =	ssyncset.done $0x0  }
0xa9: {  	[sflag:s28] =	ssyncadd.s32 $0xFFFFFFB0  }
0xaa: {  	[spmem:s3] =	stream.indirect.scatter.add.f32 [tilespmem:s23], [sflag:$0x5], $0x80, s21, s22, $0xb8;
	[tilespmem:$0x1C980] =	vst v63  }
0xab: {  	_ =	swait.ge [sflag:s17], $0x2800  }
0xac: {  	[sflag:s17] =	ssyncset.done $0x0  }
0xad: {  	s2 =	sadd.s32 $0xA, s0;
	[sflag:s17] =	ssyncadd.s32 $0xFFFFD800  }
0xae: {  	[tilespmem:s21], [sflag:$0x3] =	stream.linear.gather [hbm4b:s2+s4], $0x50, $0x38;
	[tilespmem:$0x1C980] =	vst v63  }
0xaf: {  	s2 =	sadd.s32 $0x3F00, s13  }
0xb0: {  	[tilespmem:s23], [sflag:$0x1] =	stream.indirect.gather [hbm4b:s1+s22], $0x80, s2, s22, $0xb8;
	[tilespmem:$0x1C980] =	vst v63  }
0xb1: {  	_ =	swait.ge [sflag:s29], $0x2800  }
0xb2: {  	[sflag:s29] =	ssyncset.done $0x0  }
0xb3: {  	[sflag:s29] =	ssyncadd.s32 $0xFFFFD800  }
0xb4: {  	_ =	swait.ge [sflag:s30], $0x50  }
.Ltmp6:
0xb5: {  	[sflag:s30] =	ssyncset.done $0x0;
	(pc) =	sbr.rel @p3 .LBB2_3-.Ltmp6, $4  }
0xb6: {  	[sflag:s30] =	ssyncadd.s32 $0xFFFFFFB0  }
0xb7: {  	[spmem:s3] =	stream.indirect.scatter.add.f32 [tilespmem:s25], [sflag:$0x5], $0x80, s24, s22, $0xb8;
	[tilespmem:$0x1C980] =	vst v63  }
0xb8: {  	_ =	swait.ge [sflag:s17], $0x2800  }
0xb9: {  	s0 =	sadd.s32 $0x14, s0;
	s2 =	smov.u32 s14;
	[sflag:s17] =	ssyncset.done $0x0  }
0xba: {  	[sflag:s17] =	ssyncadd.s32 $0xFFFFD800  }
0xbb: {  	_ =	swait.ge [sflag:s26], $0x2800  }
0xbc: {  	[sflag:s26] =	ssyncset.done $0x0  }
0xbd: {  	[sflag:s26] =	ssyncadd.s32 $0xFFFFD800  }
0xbe: {  	_ =	swait.ge [sflag:s28], $0x50  }
0xbf: {  	[sflag:s28] =	ssyncset.done $0x0  }
0xc0: {  	[sflag:s28] =	ssyncadd.s32 $0xFFFFFFB0  }
0xc1: {  	[spmem:s3] =	stream.indirect.scatter.add.f32 [tilespmem:s23], [sflag:$0x5], $0x80, s21, s22, $0xb8;
	[tilespmem:$0x1C980] =	vst v63  }
0xc2: {  	_ =	swait.ge [sflag:s17], $0x2800  }
0xc3: {  	[sflag:s17] =	ssyncset.done $0x0  }
0xc4: {  	[sflag:s17] =	ssyncadd.s32 $0xFFFFD800  }
0xc5: {  	[bflag:$0x0] =	sbarrier.arrive $0xFFFF  }
0xc6: {  	s0 =	rddreg [dreg:$0x5]  }
0xc7: {  	[hbm:s0], [sflag:s18] =	dma.local [spmem:s19], $0x2700  }
.Ltmp7:
0xc8: {  	_ = 	snop;
	(pc) =	sbr.rel @p2 .LBB2_8-.Ltmp7, $4  }
.Ltmp8:
0xc9: {  	_ = 	snop;
	(pc) =	sbr.rel @!p2 .LBB2_9-.Ltmp8, $4  }
0xca: {  	_ =	swait.ge [sflag:s17], $0x2700  }
0xcb: {  	[sflag:s17] =	ssyncset.done $0x0  }
0xcc: {  	s0 =	rddreg [dreg:$0x4];
	[sflag:s17] =	ssyncadd.s32 $0xFFFFD900  }
0xcd: {  	_ = 	snop  }
.LBB2_10:
0xce: {  	_ =	sfence.sel $0x180000  }
0xcf: {  	[bflag:$0x0] =	sbarrier.arrive $0xFFFF  }
0xd0: {  	_ =	strace $0x90000047  }
0xd1: {  	s0 =	stileid.u32;
	[bflag:$0x2] =	sbarrier.arrive $0xFFFF  }
0xd2: {  	p0 =	sne.s32 s0, $0x0;
	s0 =	rddreg [dreg:$0x3]  }
0xd3: {  	s0 =	sadd.s32 @!p0 $0x100000, s0  }
0xd4: {  	[sflag:s0] =	ssyncadd.tile.s32 @!p0 $0x1;
	_ =	shalt  }
.Lfunc_end2:
_tile_overlayer_lowered:
.L_overlay_start_2:
0xd5: {  	(tag) =	ssettag $0x2  }
0xd6: {  	s0 =	rddreg [dreg:$0x0];
	s2 =	stileid.u32  }
0xd7: {  	s1 =	rddreg [dreg:$0x1];
	p0 =	sne.s32 s2, $0x0  }
0xd8: {  	s3 =	rddreg [dreg:$0x2];
	[bflag:$0x3] =	sbarrier.arrive $0xFFFF;
	s2 =	simm.s32 @!p0 $0x1C05  }
0xd9: {  	[timem:s3], [sflag:s2] =	dma.local @!p0 [hbm:s0], s1  }
0xda: {  	s0 =	simm.s32 @!p0 $0x5  }
0xdb: {  	_ =	swait.ge @!p0 [sflag:s0], s1  }
0xdc: {  	s1 =	ssub.s32 @!p0 $0x0, s1;
	[sflag:s0] =	ssyncset.done @!p0 $0x0  }
0xdd: {  	[sflag:s0] =	ssyncadd.s32 @!p0 s1  }
0xde: {  	[bflag:$0x3] =	sbarrier.arrive $0xFFFF  }
0xdf: {  	_ =	shalt  }

</sc_bundles>
